<compile_context>
chip_gen: v7x
topology: tpu7x:2x2x1
jax: 0.10.2.dev20260603
libtpu: 0.0.44.dev20260713+nightly
codegen_flags: <defaults>
</compile_context>

<pallas_src>
import jax
import jax.numpy as jnp
from jax import lax
from jax.experimental import pallas as pl
from jax.experimental.pallas import tpu as pltpu
from jax.experimental.pallas import tpu_sc as plsc

_NC = 2
_NS = 16
_LANES = 16


def _sc_aggregate(x, src, dst, edge_attr):
    n, d = x.shape
    e = src.shape[0]
    nw = _NC * _NS
    c = 128
    rows_total = e // c
    assert rows_total * c == e
    rpw = rows_total // nw
    extra = rows_total - rpw * nw
    nblk = 3
    bchunks = rpw // nblk
    assert bchunks * nblk == rpw and bchunks % 2 == 0
    rows_sub = -(-n // (_NS * c)) * c
    n_pad = rows_sub * _NS
    assert d % _LANES == 0
    vecs_per_row = d // _LANES

    mesh = plsc.VectorSubcoreMesh(core_axis_name="c", subcore_axis_name="s")

    def body(x_hbm, src_hbm, dst_hbm, ea_hbm, part_hbm,
             ev_a, ev_b, srcblk, dstblk, dch_a, dch_b, srcch, aggr,
             se_a, se_b, sg_a, sg_b, ss_a, ss_b):
        cid = lax.axis_index("c")
        sid = lax.axis_index("s")
        wid = sid * _NC + cid

        zero16 = jnp.zeros((_LANES,), jnp.float32)

        def relu_rows(ebuf):
            def rowfn(i, carry):
                for j in range(vecs_per_row):
                    sl = pl.ds(j * _LANES, _LANES)
                    ebuf[i, sl] = jnp.maximum(ebuf[i, sl], 0.0)
                return carry
            lax.fori_loop(0, c, rowfn, 0)

        def copy_idx_row(blk, t, dch):
            def vfn(j, carry):
                dch[pl.ds(j * _LANES, _LANES)] = blk[pl.ds(t * c + j * _LANES,
                                                           _LANES)]
                return carry
            lax.fori_loop(0, c // _LANES, vfn, 0)

        def zrow(i, carry):
            for j in range(vecs_per_row):
                ev_a[i, pl.ds(j * _LANES, _LANES)] = zero16
            return carry

        lax.fori_loop(0, c, zrow, 0)
        row0 = sid * rows_sub
        for r in range(rows_sub // c):
            pltpu.sync_copy(ev_a, aggr.at[pl.ds(row0 + r * c, c), :])
        plsc.subcore_barrier()

        base_row = wid * rpw

        def ea_issue(row, ev, sem):
            return pltpu.async_copy(ea_hbm.at[pl.ds(row * c, c), :], ev, sem)

        def process(t, ev, sem_g):
            gat = pltpu.async_copy(
                x_hbm.at[srcblk.at[pl.ds(t * c, c)]], ev, sem_g, add=True)
            return gat

        for b in range(nblk):
            brow = base_row + b * bchunks
            ebase = brow * c
            pltpu.sync_copy(src_hbm.at[pl.ds(ebase, bchunks * c)], srcblk)
            pltpu.sync_copy(dst_hbm.at[pl.ds(ebase, bchunks * c)], dstblk)
            ea_issue(brow, ev_a, se_a)
            ea_issue(brow + 1, ev_b, se_b)

            def pair(p, carry):
                t0 = 2 * p
                t1 = t0 + 1
                pltpu.make_async_copy(ea_hbm.at[pl.ds(0, c), :], ev_a,
                                      se_a).wait()
                ga = process(t0, ev_a, sg_a)
                pltpu.make_async_copy(ea_hbm.at[pl.ds(0, c), :], ev_b,
                                      se_b).wait()
                gb = process(t1, ev_b, sg_b)
                ga.wait()
                copy_idx_row(dstblk, t0, dch_a)
                pltpu.async_copy(ev_a, aggr.at[dch_a], ss_a, add=True)
                gb.wait()
                copy_idx_row(dstblk, t1, dch_b)
                pltpu.async_copy(ev_b, aggr.at[dch_b], ss_b, add=True)

                @pl.when(p < bchunks // 2 - 1)
                def _prefetch():
                    pltpu.make_async_copy(ev_a, aggr.at[dch_a], ss_a).wait()
                    ea_issue(brow + t0 + 2, ev_a, se_a)
                    pltpu.make_async_copy(ev_b, aggr.at[dch_b], ss_b).wait()
                    ea_issue(brow + t1 + 2, ev_b, se_b)

                return carry

            lax.fori_loop(0, bchunks // 2, pair, 0)
            pltpu.make_async_copy(ev_a, aggr.at[dch_a], ss_a).wait()
            pltpu.make_async_copy(ev_b, aggr.at[dch_b], ss_b).wait()

        @pl.when(wid < extra)
        def _leftover():
            ebase = (nw * rpw + wid) * c
            pltpu.sync_copy(src_hbm.at[pl.ds(ebase, c)], srcch)
            pltpu.sync_copy(dst_hbm.at[pl.ds(ebase, c)], dch_a)
            pltpu.sync_copy(ea_hbm.at[pl.ds(ebase, c), :], ev_a)
            pltpu.async_copy(x_hbm.at[srcch], ev_a, sg_a, add=True).wait()
            relu_rows(ev_a)
            pltpu.sync_copy(ev_a, aggr.at[dch_a], add=True)

        plsc.subcore_barrier()
        pltpu.sync_copy(aggr.at[pl.ds(row0, rows_sub), :],
                        part_hbm.at[pl.ds(cid * n_pad + row0, rows_sub), :])

    run = pl.kernel(
        body,
        out_type=jax.ShapeDtypeStruct((_NC * n_pad, d), jnp.float32),
        mesh=mesh,
        scratch_types=[
            pltpu.VMEM((c, d), jnp.float32),
            pltpu.VMEM((c, d), jnp.float32),
            pltpu.VMEM((bchunks * c,), jnp.int32),
            pltpu.VMEM((bchunks * c,), jnp.int32),
            pltpu.VMEM((c,), jnp.int32),
            pltpu.VMEM((c,), jnp.int32),
            pltpu.VMEM((c,), jnp.int32),
            pltpu.VMEM_SHARED((n_pad, d), jnp.float32),
            pltpu.SemaphoreType.DMA,
            pltpu.SemaphoreType.DMA,
            pltpu.SemaphoreType.DMA,
            pltpu.SemaphoreType.DMA,
            pltpu.SemaphoreType.DMA,
            pltpu.SemaphoreType.DMA,
        ],
    )
    part = run(x, src, dst, edge_attr)
    return part[:n], part[n_pad:n_pad + n]


def _tc_body(x_ref, p0_ref, p1_ref, w1_ref, b1_ref, w2_ref, b2_ref,
             g_ref, bt_ref, out_ref):
    x = x_ref[...]
    z = x + p0_ref[...] + p1_ref[...]
    h = jnp.dot(z, w1_ref[...], preferred_element_type=jnp.float32) + b1_ref[...]
    h = jnp.maximum(h, 0.0)
    h = jnp.dot(h, w2_ref[...], preferred_element_type=jnp.float32) + b2_ref[...]
    r = x + jnp.maximum(h, 0.0)
    mean = jnp.mean(r, axis=1, keepdims=True)
    cen = r - mean
    var = jnp.mean(cen * cen, axis=1, keepdims=True)
    out_ref[...] = cen * lax.rsqrt(var + 1e-5) * g_ref[...] + bt_ref[...]


def _tc_mlp(x, p0, p1, W1, b1, W2, b2, gamma, beta):
    n, d = x.shape
    bn = 2000
    assert n % bn == 0
    grid = n // bn
    row_spec = pl.BlockSpec((bn, d), lambda i: (i, 0))
    full_spec = pl.BlockSpec((d, d), lambda i: (0, 0))
    vec_spec = pl.BlockSpec((1, d), lambda i: (0, 0))
    return pl.pallas_call(
        _tc_body,
        grid=(grid,),
        in_specs=[row_spec, row_spec, row_spec, full_spec, vec_spec,
                  full_spec, vec_spec, vec_spec, vec_spec],
        out_specs=row_spec,
        out_shape=jax.ShapeDtypeStruct((n, d), jnp.float32),
    )(x, p0, p1, W1, b1.reshape(1, d), W2, b2.reshape(1, d),
      gamma.reshape(1, d), beta.reshape(1, d))


def kernel(x, edge_index, edge_attr, W1, b1, W2, b2, gamma, beta):
    ei = edge_index.astype(jnp.int32)
    p0, p1 = _sc_aggregate(x, ei[0], ei[1], edge_attr)
    return _tc_mlp(x, p0, p1, W1, b1, W2, b2, gamma, beta)

# --- scband reference (transcript-rebuilt; emitter-appended) ---
"""Pipeline reference for scband-gine-block-12180527252066 (READ-ONLY COPY).

The authoritative reference and input builder live on the scoring server;
editing this copy changes nothing except your own understanding.
"""

import jax, jax.numpy as jnp
import numpy as np

N = 10000
E = 320000
D = 128

def setup_inputs(seed: int = 0) -> dict:
    key = jax.random.key(seed)
    ks = jax.random.split(key, 8)
    x = jax.random.normal(ks[0], (N, D), dtype=jnp.float32)
    edge_index = jax.random.randint(ks[1], (2, E), 0, N, dtype=jnp.int64)
    edge_attr = jax.random.normal(ks[2], (E, D), dtype=jnp.float32)
    # GINEConv MLP params (stored as (in, out) so forward is z @ W + b)
    W1 = jax.random.normal(ks[3], (D, D), dtype=jnp.float32) * 0.05
    b1 = jnp.zeros((D,), dtype=jnp.float32)
    W2 = jax.random.normal(ks[4], (D, D), dtype=jnp.float32) * 0.05
    b2 = jnp.zeros((D,), dtype=jnp.float32)
    # LayerNorm params
    gamma = jnp.ones((D,), dtype=jnp.float32)
    beta = jnp.zeros((D,), dtype=jnp.float32)
    return {"x": x, "edge_index": edge_index, "edge_attr": edge_attr,
            "W1": W1, "b1": b1, "W2": W2, "b2": b2,
            "gamma": gamma, "beta": beta}

def reference(x, edge_index, edge_attr, W1, b1, W2, b2, gamma, beta):
    src = edge_index[0]
    dst = edge_index[1]
    # GINEConv message: ReLU(x_j + e_ji), aggregated (sum) at destination nodes
    msg = jax.nn.relu(jnp.take(x, src, axis=0) + edge_attr)
    aggr = jnp.zeros_like(x).at[dst].add(msg)
    # (1 + eps) * x + aggr, eps = 0 (default, train_eps=False)
    z = x + aggr
    # MLP: Linear -> ReLU -> Linear
    h = jax.nn.relu(z @ W1 + b1) @ W2 + b2
    # Residual + ReLU then LayerNorm
    r = x + jax.nn.relu(h)
    mean = jnp.mean(r, axis=-1, keepdims=True)
    var = jnp.mean((r - mean) ** 2, axis=-1, keepdims=True)
    out = (r - mean) / jnp.sqrt(var + 1e-5) * gamma + beta
    return out

if __name__ == "__main__":
    import jax
    _d = setup_inputs()
    print(jax.jit(kernel)(*tuple(_d.values())))

</pallas_src>

<mosaic_0001>
#map = affine_map<(d0, d1) -> (0, 0)>
#map1 = affine_map<(d0, d1) -> (0)>
module attributes {stable_mosaic.version = 14 : i64} {
  func.func @body(%arg0: i32, %arg1: i32, %arg2: memref<10000x128xf32, #tpu.memory_space<hbm>>, %arg3: memref<320000xi32, #tpu.memory_space<hbm>>, %arg4: memref<320000xi32, #tpu.memory_space<hbm>>, %arg5: memref<320000x128xf32, #tpu.memory_space<hbm>>, %arg6: memref<20480x128xf32, #tpu.memory_space<hbm>>, %arg7: memref<128x128xf32, #tpu.memory_space<vmem>>, %arg8: memref<128x128xf32, #tpu.memory_space<vmem>>, %arg9: memref<3328xi32, #tpu.memory_space<vmem>>, %arg10: memref<3328xi32, #tpu.memory_space<vmem>>, %arg11: memref<128xi32, #tpu.memory_space<vmem>>, %arg12: memref<128xi32, #tpu.memory_space<vmem>>, %arg13: memref<128xi32, #tpu.memory_space<vmem>>, %arg14: memref<10240x128xf32, #tpu.memory_space<vmem_shared>>, %arg15: memref<!tpu.dma_semaphore, #tpu.memory_space<semaphore_mem>>, %arg16: memref<!tpu.dma_semaphore, #tpu.memory_space<semaphore_mem>>, %arg17: memref<!tpu.dma_semaphore, #tpu.memory_space<semaphore_mem>>, %arg18: memref<!tpu.dma_semaphore, #tpu.memory_space<semaphore_mem>>, %arg19: memref<!tpu.dma_semaphore, #tpu.memory_space<semaphore_mem>>, %arg20: memref<!tpu.dma_semaphore, #tpu.memory_space<semaphore_mem>>) attributes {dimension_semantics = [#tpu.dimension_semantics<core_parallel>, #tpu.dimension_semantics<subcore_parallel>], iteration_bounds = array<i64: 2, 16>, scalar_prefetch = 0 : i64, scratch_operands = 14 : i64, tpu.core_type = #tpu.core_type<sc_vector_subcore>, window_params = [{transform_indices = #map}, {transform_indices = #map1}, {transform_indices = #map1}, {transform_indices = #map}, {transform_indices = #map}]} {
    %mul3A = arith.constant 2 : i32
    %mul3A_0 = arith.muli %arg1, %mul3A : i32
    %add3A = arith.addi %mul3A_0, %arg0 : i32
    %broadcast_in_dim3A = arith.constant 0.000000e+00 : f32
    %broadcast_in_dim3A_1 = vector.broadcast %broadcast_in_dim3A : f32 to vector<16xf32>
    %scan3A = arith.constant 0 : i32
    %scan3A_2 = arith.constant 0 : i32
    %scan3A_3 = arith.constant 128 : i32
    %scan3A_4 = arith.addi %scan3A_2, %scan3A_3 : i32
    %scan3A_5 = arith.constant 1 : i32
    scf.for %scan3A_115 = %scan3A_2 to %scan3A_4 step %scan3A_5  : i32 {
      %swap3A = arith.index_cast %scan3A_115 : i32 to index
      %swap3A_116 = arith.constant 0 : index
      %swap3A_117 = tpu.vector_load %arg7[%swap3A, %swap3A_116] {strides = array<i32>} : memref<128x128xf32, #tpu.memory_space<vmem>>, vector<1x16xf32>,
      %swap3A_118 = vector.shape_cast %swap3A_117 : vector<1x16xf32> to vector<16xf32>
      %swap3A_119 = vector.shape_cast %broadcast_in_dim3A_1 : vector<16xf32> to vector<1x16xf32>
      tpu.vector_store %arg7[%swap3A, %swap3A_116], %swap3A_119 {strides = array<i32>} : memref<128x128xf32, #tpu.memory_space<vmem>>, vector<1x16xf32>,
      %swap3A_120 = arith.index_cast %scan3A_115 : i32 to index
      %swap3A_121 = arith.constant 16 : index
      %swap3A_122 = tpu.vector_load %arg7[%swap3A_120, %swap3A_121] {strides = array<i32>} : memref<128x128xf32, #tpu.memory_space<vmem>>, vector<1x16xf32>,
      %swap3A_123 = vector.shape_cast %swap3A_122 : vector<1x16xf32> to vector<16xf32>
      %swap3A_124 = vector.shape_cast %broadcast_in_dim3A_1 : vector<16xf32> to vector<1x16xf32>
      tpu.vector_store %arg7[%swap3A_120, %swap3A_121], %swap3A_124 {strides = array<i32>} : memref<128x128xf32, #tpu.memory_space<vmem>>, vector<1x16xf32>,
      %swap3A_125 = arith.index_cast %scan3A_115 : i32 to index
      %swap3A_126 = arith.constant 32 : index
      %swap3A_127 = tpu.vector_load %arg7[%swap3A_125, %swap3A_126] {strides = array<i32>} : memref<128x128xf32, #tpu.memory_space<vmem>>, vector<1x16xf32>,
      %swap3A_128 = vector.shape_cast %swap3A_127 : vector<1x16xf32> to vector<16xf32>
      %swap3A_129 = vector.shape_cast %broadcast_in_dim3A_1 : vector<16xf32> to vector<1x16xf32>
      tpu.vector_store %arg7[%swap3A_125, %swap3A_126], %swap3A_129 {strides = array<i32>} : memref<128x128xf32, #tpu.memory_space<vmem>>, vector<1x16xf32>,
      %swap3A_130 = arith.index_cast %scan3A_115 : i32 to index
      %swap3A_131 = arith.constant 48 : index
      %swap3A_132 = tpu.vector_load %arg7[%swap3A_130, %swap3A_131] {strides = array<i32>} : memref<128x128xf32, #tpu.memory_space<vmem>>, vector<1x16xf32>,
      %swap3A_133 = vector.shape_cast %swap3A_132 : vector<1x16xf32> to vector<16xf32>
      %swap3A_134 = vector.shape_cast %broadcast_in_dim3A_1 : vector<16xf32> to vector<1x16xf32>
      tpu.vector_store %arg7[%swap3A_130, %swap3A_131], %swap3A_134 {strides = array<i32>} : memref<128x128xf32, #tpu.memory_space<vmem>>, vector<1x16xf32>,
      %swap3A_135 = arith.index_cast %scan3A_115 : i32 to index
      %swap3A_136 = arith.constant 64 : index
      %swap3A_137 = tpu.vector_load %arg7[%swap3A_135, %swap3A_136] {strides = array<i32>} : memref<128x128xf32, #tpu.memory_space<vmem>>, vector<1x16xf32>,
      %swap3A_138 = vector.shape_cast %swap3A_137 : vector<1x16xf32> to vector<16xf32>
      %swap3A_139 = vector.shape_cast %broadcast_in_dim3A_1 : vector<16xf32> to vector<1x16xf32>
      tpu.vector_store %arg7[%swap3A_135, %swap3A_136], %swap3A_139 {strides = array<i32>} : memref<128x128xf32, #tpu.memory_space<vmem>>, vector<1x16xf32>,
      %swap3A_140 = arith.index_cast %scan3A_115 : i32 to index
      %swap3A_141 = arith.constant 80 : index
      %swap3A_142 = tpu.vector_load %arg7[%swap3A_140, %swap3A_141] {strides = array<i32>} : memref<128x128xf32, #tpu.memory_space<vmem>>, vector<1x16xf32>,
      %swap3A_143 = vector.shape_cast %swap3A_142 : vector<1x16xf32> to vector<16xf32>
      %swap3A_144 = vector.shape_cast %broadcast_in_dim3A_1 : vector<16xf32> to vector<1x16xf32>
      tpu.vector_store %arg7[%swap3A_140, %swap3A_141], %swap3A_144 {strides = array<i32>} : memref<128x128xf32, #tpu.memory_space<vmem>>, vector<1x16xf32>,
      %swap3A_145 = arith.index_cast %scan3A_115 : i32 to index
      %swap3A_146 = arith.constant 96 : index
      %swap3A_147 = tpu.vector_load %arg7[%swap3A_145, %swap3A_146] {strides = array<i32>} : memref<128x128xf32, #tpu.memory_space<vmem>>, vector<1x16xf32>,
      %swap3A_148 = vector.shape_cast %swap3A_147 : vector<1x16xf32> to vector<16xf32>
      %swap3A_149 = vector.shape_cast %broadcast_in_dim3A_1 : vector<16xf32> to vector<1x16xf32>
      tpu.vector_store %arg7[%swap3A_145, %swap3A_146], %swap3A_149 {strides = array<i32>} : memref<128x128xf32, #tpu.memory_space<vmem>>, vector<1x16xf32>,
      %swap3A_150 = arith.index_cast %scan3A_115 : i32 to index
      %swap3A_151 = arith.constant 112 : index
      %swap3A_152 = tpu.vector_load %arg7[%swap3A_150, %swap3A_151] {strides = array<i32>} : memref<128x128xf32, #tpu.memory_space<vmem>>, vector<1x16xf32>,
      %swap3A_153 = vector.shape_cast %swap3A_152 : vector<1x16xf32> to vector<16xf32>
      %swap3A_154 = vector.shape_cast %broadcast_in_dim3A_1 : vector<16xf32> to vector<1x16xf32>
      tpu.vector_store %arg7[%swap3A_150, %swap3A_151], %swap3A_154 {strides = array<i32>} : memref<128x128xf32, #tpu.memory_space<vmem>>, vector<1x16xf32>,
    }
    %scan3A_6 = arith.constant 128 : i32
    %mul3A_7 = arith.constant 640 : i32
    %mul3A_8 = arith.muli %arg1, %mul3A_7 : i32
    %add3A_9 = arith.constant 0 : i32
    %add3A_10 = arith.addi %mul3A_8, %add3A_9 : i32
    "tpu.region"() ({
      %run_scoped3A = tpu.sem_alloc : memref<!tpu.dma_semaphore, #tpu.memory_space<semaphore_mem>>
      %dma_start3A_115 = arith.constant 0 : i32
      %dma_start3A_116 = tpu.memref_slice %arg14[%add3A_10, %dma_start3A_115] : memref<10240x128xf32, #tpu.memory_space<vmem_shared>> -> memref<128x128xf32, #tpu.memory_space<vmem_shared>>
      %dma_start3A_117 = arith.constant 0 : i32
      %dma_start3A_118 = tpu.memref_slice %arg14[%add3A_10, %dma_start3A_117] : memref<10240x128xf32, #tpu.memory_space<vmem_shared>> -> memref<128x128xf32, #tpu.memory_space<vmem_shared>>
      tpu.enqueue_dma source(%arg7 : memref<128x128xf32, #tpu.memory_space<vmem>>) target(%dma_start3A_118 : memref<128x128xf32, #tpu.memory_space<vmem_shared>>) target_semaphore(%run_scoped3A : memref<!tpu.dma_semaphore, #tpu.memory_space<semaphore_mem>>)
      %dma_wait3A_119 = arith.constant 0 : i32
      %dma_wait3A_120 = tpu.memref_slice %arg14[%add3A_10, %dma_wait3A_119] : memref<10240x128xf32, #tpu.memory_space<vmem_shared>> -> memref<128x128xf32, #tpu.memory_space<vmem_shared>>
      %dma_wait3A_121 = arith.constant 0 : i32
      %dma_wait3A_122 = tpu.memref_slice %arg14[%add3A_10, %dma_wait3A_121] : memref<10240x128xf32, #tpu.memory_space<vmem_shared>> -> memref<128x128xf32, #tpu.memory_space<vmem_shared>>
      tpu.wait_dma2 semaphore(%run_scoped3A : memref<!tpu.dma_semaphore, #tpu.memory_space<semaphore_mem>>) src(%arg7 : memref<128x128xf32, #tpu.memory_space<vmem>>) dst(%dma_wait3A_122 : memref<128x128xf32, #tpu.memory_space<vmem_shared>>)
      tpu.yield
    }) : () -> ()
    %add3A_11 = arith.constant 128 : i32
    %add3A_12 = arith.addi %mul3A_8, %add3A_11 : i32
    "tpu.region"() ({
      %run_scoped3A = tpu.sem_alloc : memref<!tpu.dma_semaphore, #tpu.memory_space<semaphore_mem>>
      %dma_start3A_115 = arith.constant 0 : i32
      %dma_start3A_116 = tpu.memref_slice %arg14[%add3A_12, %dma_start3A_115] : memref<10240x128xf32, #tpu.memory_space<vmem_shared>> -> memref<128x128xf32, #tpu.memory_space<vmem_shared>>
      %dma_start3A_117 = arith.constant 0 : i32
      %dma_start3A_118 = tpu.memref_slice %arg14[%add3A_12, %dma_start3A_117] : memref<10240x128xf32, #tpu.memory_space<vmem_shared>> -> memref<128x128xf32, #tpu.memory_space<vmem_shared>>
      tpu.enqueue_dma source(%arg7 : memref<128x128xf32, #tpu.memory_space<vmem>>) target(%dma_start3A_118 : memref<128x128xf32, #tpu.memory_space<vmem_shared>>) target_semaphore(%run_scoped3A : memref<!tpu.dma_semaphore, #tpu.memory_space<semaphore_mem>>)
      %dma_wait3A_119 = arith.constant 0 : i32
      %dma_wait3A_120 = tpu.memref_slice %arg14[%add3A_12, %dma_wait3A_119] : memref<10240x128xf32, #tpu.memory_space<vmem_shared>> -> memref<128x128xf32, #tpu.memory_space<vmem_shared>>
      %dma_wait3A_121 = arith.constant 0 : i32
      %dma_wait3A_122 = tpu.memref_slice %arg14[%add3A_12, %dma_wait3A_121] : memref<10240x128xf32, #tpu.memory_space<vmem_shared>> -> memref<128x128xf32, #tpu.memory_space<vmem_shared>>
      tpu.wait_dma2 semaphore(%run_scoped3A : memref<!tpu.dma_semaphore, #tpu.memory_space<semaphore_mem>>) src(%arg7 : memref<128x128xf32, #tpu.memory_space<vmem>>) dst(%dma_wait3A_122 : memref<128x128xf32, #tpu.memory_space<vmem_shared>>)
      tpu.yield
    }) : () -> ()
    %add3A_13 = arith.constant 256 : i32
    %add3A_14 = arith.addi %mul3A_8, %add3A_13 : i32
    "tpu.region"() ({
      %run_scoped3A = tpu.sem_alloc : memref<!tpu.dma_semaphore, #tpu.memory_space<semaphore_mem>>
      %dma_start3A_115 = arith.constant 0 : i32
      %dma_start3A_116 = tpu.memref_slice %arg14[%add3A_14, %dma_start3A_115] : memref<10240x128xf32, #tpu.memory_space<vmem_shared>> -> memref<128x128xf32, #tpu.memory_space<vmem_shared>>
      %dma_start3A_117 = arith.constant 0 : i32
      %dma_start3A_118 = tpu.memref_slice %arg14[%add3A_14, %dma_start3A_117] : memref<10240x128xf32, #tpu.memory_space<vmem_shared>> -> memref<128x128xf32, #tpu.memory_space<vmem_shared>>
      tpu.enqueue_dma source(%arg7 : memref<128x128xf32, #tpu.memory_space<vmem>>) target(%dma_start3A_118 : memref<128x128xf32, #tpu.memory_space<vmem_shared>>) target_semaphore(%run_scoped3A : memref<!tpu.dma_semaphore, #tpu.memory_space<semaphore_mem>>)
      %dma_wait3A_119 = arith.constant 0 : i32
      %dma_wait3A_120 = tpu.memref_slice %arg14[%add3A_14, %dma_wait3A_119] : memref<10240x128xf32, #tpu.memory_space<vmem_shared>> -> memref<128x128xf32, #tpu.memory_space<vmem_shared>>
      %dma_wait3A_121 = arith.constant 0 : i32
      %dma_wait3A_122 = tpu.memref_slice %arg14[%add3A_14, %dma_wait3A_121] : memref<10240x128xf32, #tpu.memory_space<vmem_shared>> -> memref<128x128xf32, #tpu.memory_space<vmem_shared>>
      tpu.wait_dma2 semaphore(%run_scoped3A : memref<!tpu.dma_semaphore, #tpu.memory_space<semaphore_mem>>) src(%arg7 : memref<128x128xf32, #tpu.memory_space<vmem>>) dst(%dma_wait3A_122 : memref<128x128xf32, #tpu.memory_space<vmem_shared>>)
      tpu.yield
    }) : () -> ()
    %add3A_15 = arith.constant 384 : i32
    %add3A_16 = arith.addi %mul3A_8, %add3A_15 : i32
    "tpu.region"() ({
      %run_scoped3A = tpu.sem_alloc : memref<!tpu.dma_semaphore, #tpu.memory_space<semaphore_mem>>
      %dma_start3A_115 = arith.constant 0 : i32
      %dma_start3A_116 = tpu.memref_slice %arg14[%add3A_16, %dma_start3A_115] : memref<10240x128xf32, #tpu.memory_space<vmem_shared>> -> memref<128x128xf32, #tpu.memory_space<vmem_shared>>
      %dma_start3A_117 = arith.constant 0 : i32
      %dma_start3A_118 = tpu.memref_slice %arg14[%add3A_16, %dma_start3A_117] : memref<10240x128xf32, #tpu.memory_space<vmem_shared>> -> memref<128x128xf32, #tpu.memory_space<vmem_shared>>
      tpu.enqueue_dma source(%arg7 : memref<128x128xf32, #tpu.memory_space<vmem>>) target(%dma_start3A_118 : memref<128x128xf32, #tpu.memory_space<vmem_shared>>) target_semaphore(%run_scoped3A : memref<!tpu.dma_semaphore, #tpu.memory_space<semaphore_mem>>)
      %dma_wait3A_119 = arith.constant 0 : i32
      %dma_wait3A_120 = tpu.memref_slice %arg14[%add3A_16, %dma_wait3A_119] : memref<10240x128xf32, #tpu.memory_space<vmem_shared>> -> memref<128x128xf32, #tpu.memory_space<vmem_shared>>
      %dma_wait3A_121 = arith.constant 0 : i32
      %dma_wait3A_122 = tpu.memref_slice %arg14[%add3A_16, %dma_wait3A_121] : memref<10240x128xf32, #tpu.memory_space<vmem_shared>> -> memref<128x128xf32, #tpu.memory_space<vmem_shared>>
      tpu.wait_dma2 semaphore(%run_scoped3A : memref<!tpu.dma_semaphore, #tpu.memory_space<semaphore_mem>>) src(%arg7 : memref<128x128xf32, #tpu.memory_space<vmem>>) dst(%dma_wait3A_122 : memref<128x128xf32, #tpu.memory_space<vmem_shared>>)
      tpu.yield
    }) : () -> ()
    %add3A_17 = arith.constant 512 : i32
    %add3A_18 = arith.addi %mul3A_8, %add3A_17 : i32
    "tpu.region"() ({
      %run_scoped3A = tpu.sem_alloc : memref<!tpu.dma_semaphore, #tpu.memory_space<semaphore_mem>>
      %dma_start3A_115 = arith.constant 0 : i32
      %dma_start3A_116 = tpu.memref_slice %arg14[%add3A_18, %dma_start3A_115] : memref<10240x128xf32, #tpu.memory_space<vmem_shared>> -> memref<128x128xf32, #tpu.memory_space<vmem_shared>>
      %dma_start3A_117 = arith.constant 0 : i32
      %dma_start3A_118 = tpu.memref_slice %arg14[%add3A_18, %dma_start3A_117] : memref<10240x128xf32, #tpu.memory_space<vmem_shared>> -> memref<128x128xf32, #tpu.memory_space<vmem_shared>>
      tpu.enqueue_dma source(%arg7 : memref<128x128xf32, #tpu.memory_space<vmem>>) target(%dma_start3A_118 : memref<128x128xf32, #tpu.memory_space<vmem_shared>>) target_semaphore(%run_scoped3A : memref<!tpu.dma_semaphore, #tpu.memory_space<semaphore_mem>>)
      %dma_wait3A_119 = arith.constant 0 : i32
      %dma_wait3A_120 = tpu.memref_slice %arg14[%add3A_18, %dma_wait3A_119] : memref<10240x128xf32, #tpu.memory_space<vmem_shared>> -> memref<128x128xf32, #tpu.memory_space<vmem_shared>>
      %dma_wait3A_121 = arith.constant 0 : i32
      %dma_wait3A_122 = tpu.memref_slice %arg14[%add3A_18, %dma_wait3A_121] : memref<10240x128xf32, #tpu.memory_space<vmem_shared>> -> memref<128x128xf32, #tpu.memory_space<vmem_shared>>
      tpu.wait_dma2 semaphore(%run_scoped3A : memref<!tpu.dma_semaphore, #tpu.memory_space<semaphore_mem>>) src(%arg7 : memref<128x128xf32, #tpu.memory_space<vmem>>) dst(%dma_wait3A_122 : memref<128x128xf32, #tpu.memory_space<vmem_shared>>)
      tpu.yield
    }) : () -> ()
    %barrier3A = arith.constant 0 : index
    tpu.barrier barrier_id(%barrier3A)
    %mul3A_19 = arith.constant 78 : i32
    %mul3A_20 = arith.muli %add3A, %mul3A_19 : i32
    %add3A_21 = arith.constant 0 : i32
    %add3A_22 = arith.addi %mul3A_20, %add3A_21 : i32
    %mul3A_23 = arith.constant 128 : i32
    %mul3A_24 = arith.muli %add3A_22, %mul3A_23 : i32
    "tpu.region"() ({
      %run_scoped3A = tpu.sem_alloc : memref<!tpu.dma_semaphore, #tpu.memory_space<semaphore_mem>>
      %dma_start3A_115 = tpu.memref_slice %arg3[%mul3A_24] : memref<320000xi32, #tpu.memory_space<hbm>> -> memref<3328xi32, #tpu.memory_space<hbm>>
      %dma_start3A_116 = tpu.memref_slice %arg3[%mul3A_24] : memref<320000xi32, #tpu.memory_space<hbm>> -> memref<3328xi32, #tpu.memory_space<hbm>>
      tpu.enqueue_dma source(%dma_start3A_116 : memref<3328xi32, #tpu.memory_space<hbm>>) target(%arg9 : memref<3328xi32, #tpu.memory_space<vmem>>) target_semaphore(%run_scoped3A : memref<!tpu.dma_semaphore, #tpu.memory_space<semaphore_mem>>)
      %dma_wait3A_117 = tpu.memref_slice %arg3[%mul3A_24] : memref<320000xi32, #tpu.memory_space<hbm>> -> memref<3328xi32, #tpu.memory_space<hbm>>
      %dma_wait3A_118 = tpu.memref_slice %arg3[%mul3A_24] : memref<320000xi32, #tpu.memory_space<hbm>> -> memref<3328xi32, #tpu.memory_space<hbm>>
      tpu.wait_dma2 semaphore(%run_scoped3A : memref<!tpu.dma_semaphore, #tpu.memory_space<semaphore_mem>>) src(%dma_wait3A_118 : memref<3328xi32, #tpu.memory_space<hbm>>) dst(%arg9 : memref<3328xi32, #tpu.memory_space<vmem>>)
      tpu.yield
    }) : () -> ()
    "tpu.region"() ({
      %run_scoped3A = tpu.sem_alloc : memref<!tpu.dma_semaphore, #tpu.memory_space<semaphore_mem>>
      %dma_start3A_115 = tpu.memref_slice %arg4[%mul3A_24] : memref<320000xi32, #tpu.memory_space<hbm>> -> memref<3328xi32, #tpu.memory_space<hbm>>
      %dma_start3A_116 = tpu.memref_slice %arg4[%mul3A_24] : memref<320000xi32, #tpu.memory_space<hbm>> -> memref<3328xi32, #tpu.memory_space<hbm>>
      tpu.enqueue_dma source(%dma_start3A_116 : memref<3328xi32, #tpu.memory_space<hbm>>) target(%arg10 : memref<3328xi32, #tpu.memory_space<vmem>>) target_semaphore(%run_scoped3A : memref<!tpu.dma_semaphore, #tpu.memory_space<semaphore_mem>>)
      %dma_wait3A_117 = tpu.memref_slice %arg4[%mul3A_24] : memref<320000xi32, #tpu.memory_space<hbm>> -> memref<3328xi32, #tpu.memory_space<hbm>>
      %dma_wait3A_118 = tpu.memref_slice %arg4[%mul3A_24] : memref<320000xi32, #tpu.memory_space<hbm>> -> memref<3328xi32, #tpu.memory_space<hbm>>
      tpu.wait_dma2 semaphore(%run_scoped3A : memref<!tpu.dma_semaphore, #tpu.memory_space<semaphore_mem>>) src(%dma_wait3A_118 : memref<3328xi32, #tpu.memory_space<hbm>>) dst(%arg10 : memref<3328xi32, #tpu.memory_space<vmem>>)
      tpu.yield
    }) : () -> ()
    %mul3A_25 = arith.constant 128 : i32
    %mul3A_26 = arith.muli %add3A_22, %mul3A_25 : i32
    %dma_start3A = arith.constant 0 : i32
    %dma_start3A_27 = tpu.memref_slice %arg5[%mul3A_26, %dma_start3A] : memref<320000x128xf32, #tpu.memory_space<hbm>> -> memref<128x128xf32, #tpu.memory_space<hbm>>
    %dma_start3A_28 = arith.constant 0 : i32
    %dma_start3A_29 = tpu.memref_slice %arg5[%mul3A_26, %dma_start3A_28] : memref<320000x128xf32, #tpu.memory_space<hbm>> -> memref<128x128xf32, #tpu.memory_space<hbm>>
    tpu.enqueue_dma source(%dma_start3A_29 : memref<128x128xf32, #tpu.memory_space<hbm>>) target(%arg7 : memref<128x128xf32, #tpu.memory_space<vmem>>) target_semaphore(%arg15 : memref<!tpu.dma_semaphore, #tpu.memory_space<semaphore_mem>>)
    %add3A_30 = arith.constant 1 : i32
    %add3A_31 = arith.addi %add3A_22, %add3A_30 : i32
    %mul3A_32 = arith.constant 128 : i32
    %mul3A_33 = arith.muli %add3A_31, %mul3A_32 : i32
    %dma_start3A_34 = arith.constant 0 : i32
    %dma_start3A_35 = tpu.memref_slice %arg5[%mul3A_33, %dma_start3A_34] : memref<320000x128xf32, #tpu.memory_space<hbm>> -> memref<128x128xf32, #tpu.memory_space<hbm>>
    %dma_start3A_36 = arith.constant 0 : i32
    %dma_start3A_37 = tpu.memref_slice %arg5[%mul3A_33, %dma_start3A_36] : memref<320000x128xf32, #tpu.memory_space<hbm>> -> memref<128x128xf32, #tpu.memory_space<hbm>>
    tpu.enqueue_dma source(%dma_start3A_37 : memref<128x128xf32, #tpu.memory_space<hbm>>) target(%arg8 : memref<128x128xf32, #tpu.memory_space<vmem>>) target_semaphore(%arg16 : memref<!tpu.dma_semaphore, #tpu.memory_space<semaphore_mem>>)
    %scan3A_38 = arith.constant 0 : i32
    %scan3A_39 = arith.constant 0 : i32
    %scan3A_40 = arith.constant 13 : i32
    %scan3A_41 = arith.addi %scan3A_39, %scan3A_40 : i32
    %scan3A_42 = arith.constant 1 : i32
    scf.for %scan3A_115 = %scan3A_39 to %scan3A_41 step %scan3A_42  : i32 {
      %mul3A_116 = arith.constant 2 : i32
      %mul3A_117 = arith.muli %mul3A_116, %scan3A_115 : i32
      %add3A_118 = arith.constant 1 : i32
      %add3A_119 = arith.addi %mul3A_117, %add3A_118 : i32
      %dma_wait3A_120 = arith.constant 0 : i32
      %dma_wait3A_121 = arith.constant 0 : i32
      %dma_wait3A_122 = tpu.memref_slice %arg5[%dma_wait3A_120, %dma_wait3A_121] : memref<320000x128xf32, #tpu.memory_space<hbm>> -> memref<128x128xf32, #tpu.memory_space<hbm>>
      %dma_wait3A_123 = arith.constant 0 : i32
      %dma_wait3A_124 = arith.constant 0 : i32
      %dma_wait3A_125 = tpu.memref_slice %arg5[%dma_wait3A_123, %dma_wait3A_124] : memref<320000x128xf32, #tpu.memory_space<hbm>> -> memref<128x128xf32, #tpu.memory_space<hbm>>
      tpu.wait_dma2 semaphore(%arg15 : memref<!tpu.dma_semaphore, #tpu.memory_space<semaphore_mem>>) src(%dma_wait3A_125 : memref<128x128xf32, #tpu.memory_space<hbm>>) dst(%arg7 : memref<128x128xf32, #tpu.memory_space<vmem>>)
      %mul3A_126 = arith.constant 128 : i32
      %mul3A_127 = arith.muli %mul3A_117, %mul3A_126 : i32
      %dma_start3A_128 = tpu.memref_slice %arg9[%mul3A_127] : memref<3328xi32, #tpu.memory_space<vmem>> -> memref<128xi32, #tpu.memory_space<vmem>>
      %dma_start3A_129 = arith.constant 0 : i32
      %dma_start3A_130 = arith.constant 0 : i32
      %dma_start3A_131 = tpu.memref_slice %arg2[%dma_start3A_129, %dma_start3A_130] : memref<10000x128xf32, #tpu.memory_space<hbm>> -> memref<10000x128xf32, #tpu.memory_space<hbm>>
      tpu.enqueue_indirect_dma source(%dma_start3A_131 : memref<10000x128xf32, #tpu.memory_space<hbm>>) target(%arg7 : memref<128x128xf32, #tpu.memory_space<vmem>>) offsets(%dma_start3A_128 : memref<128xi32, #tpu.memory_space<vmem>>) semaphore(%arg17 : memref<!tpu.dma_semaphore, #tpu.memory_space<semaphore_mem>>) {add = true}
      %dma_wait3A_132 = arith.constant 0 : i32
      %dma_wait3A_133 = arith.constant 0 : i32
      %dma_wait3A_134 = tpu.memref_slice %arg5[%dma_wait3A_132, %dma_wait3A_133] : memref<320000x128xf32, #tpu.memory_space<hbm>> -> memref<128x128xf32, #tpu.memory_space<hbm>>
      %dma_wait3A_135 = arith.constant 0 : i32
      %dma_wait3A_136 = arith.constant 0 : i32
      %dma_wait3A_137 = tpu.memref_slice %arg5[%dma_wait3A_135, %dma_wait3A_136] : memref<320000x128xf32, #tpu.memory_space<hbm>> -> memref<128x128xf32, #tpu.memory_space<hbm>>
      tpu.wait_dma2 semaphore(%arg16 : memref<!tpu.dma_semaphore, #tpu.memory_space<semaphore_mem>>) src(%dma_wait3A_137 : memref<128x128xf32, #tpu.memory_space<hbm>>) dst(%arg8 : memref<128x128xf32, #tpu.memory_space<vmem>>)
      %mul3A_138 = arith.constant 128 : i32
      %mul3A_139 = arith.muli %add3A_119, %mul3A_138 : i32
      %dma_start3A_140 = tpu.memref_slice %arg9[%mul3A_139] : memref<3328xi32, #tpu.memory_space<vmem>> -> memref<128xi32, #tpu.memory_space<vmem>>
      %dma_start3A_141 = arith.constant 0 : i32
      %dma_start3A_142 = arith.constant 0 : i32
      %dma_start3A_143 = tpu.memref_slice %arg2[%dma_start3A_141, %dma_start3A_142] : memref<10000x128xf32, #tpu.memory_space<hbm>> -> memref<10000x128xf32, #tpu.memory_space<hbm>>
      tpu.enqueue_indirect_dma source(%dma_start3A_143 : memref<10000x128xf32, #tpu.memory_space<hbm>>) target(%arg8 : memref<128x128xf32, #tpu.memory_space<vmem>>) offsets(%dma_start3A_140 : memref<128xi32, #tpu.memory_space<vmem>>) semaphore(%arg18 : memref<!tpu.dma_semaphore, #tpu.memory_space<semaphore_mem>>) {add = true}
      %dma_wait3A_144 = tpu.memref_slice %arg9[%mul3A_127] : memref<3328xi32, #tpu.memory_space<vmem>> -> memref<128xi32, #tpu.memory_space<vmem>>
      %dma_wait3A_145 = arith.constant 0 : i32
      %dma_wait3A_146 = arith.constant 0 : i32
      %dma_wait3A_147 = tpu.memref_slice %arg2[%dma_wait3A_145, %dma_wait3A_146] : memref<10000x128xf32, #tpu.memory_space<hbm>> -> memref<10000x128xf32, #tpu.memory_space<hbm>>
      tpu.wait_indirect_dma semaphore(%arg17 : memref<!tpu.dma_semaphore, #tpu.memory_space<semaphore_mem>>) src(%dma_wait3A_147 : memref<10000x128xf32, #tpu.memory_space<hbm>>) dst(%arg7 : memref<128x128xf32, #tpu.memory_space<vmem>>)
      %scan3A_148 = arith.constant 0 : i32
      %scan3A_149 = arith.constant 0 : i32
      %scan3A_150 = arith.constant 8 : i32
      %scan3A_151 = arith.addi %scan3A_149, %scan3A_150 : i32
      %scan3A_152 = arith.constant 1 : i32
      scf.for %scan3A_175 = %scan3A_149 to %scan3A_151 step %scan3A_152  : i32 {
        %mul3A_176 = arith.constant 128 : i32
        %mul3A_177 = arith.muli %mul3A_117, %mul3A_176 : i32
        %mul3A_178 = arith.constant 16 : i32
        %mul3A_179 = arith.muli %scan3A_175, %mul3A_178 : i32
        %add3A_180 = arith.addi %mul3A_177, %mul3A_179 : i32
        %get3A = arith.index_cast %add3A_180 : i32 to index
        %get3A_181 = tpu.vector_load %arg10[%get3A] {strides = array<i32>} : memref<3328xi32, #tpu.memory_space<vmem>>, vector<16xi32>,
        %get3A_182 = vector.shape_cast %get3A_181 : vector<16xi32> to vector<16xi32>
        %mul3A_183 = arith.constant 16 : i32
        %mul3A_184 = arith.muli %scan3A_175, %mul3A_183 : i32
        %swap3A = arith.index_cast %mul3A_184 : i32 to index
        %swap3A_185 = tpu.vector_load %arg11[%swap3A] {strides = array<i32>} : memref<128xi32, #tpu.memory_space<vmem>>, vector<16xi32>,
        %swap3A_186 = vector.shape_cast %swap3A_185 : vector<16xi32> to vector<16xi32>
        %swap3A_187 = vector.shape_cast %get3A_182 : vector<16xi32> to vector<16xi32>
        tpu.vector_store %arg11[%swap3A], %swap3A_187 {strides = array<i32>} : memref<128xi32, #tpu.memory_space<vmem>>, vector<16xi32>,
      }
      %scan3A_153 = arith.constant 8 : i32
      %dma_start3A_154 = arith.constant 0 : i32
      %dma_start3A_155 = arith.constant 0 : i32
      %dma_start3A_156 = tpu.memref_slice %arg14[%dma_start3A_154, %dma_start3A_155] : memref<10240x128xf32, #tpu.memory_space<vmem_shared>> -> memref<10240x128xf32, #tpu.memory_space<vmem_shared>>
      tpu.enqueue_indirect_dma source(%arg7 : memref<128x128xf32, #tpu.memory_space<vmem>>) target(%dma_start3A_156 : memref<10240x128xf32, #tpu.memory_space<vmem_shared>>) offsets(%arg11 : memref<128xi32, #tpu.memory_space<vmem>>) semaphore(%arg19 : memref<!tpu.dma_semaphore, #tpu.memory_space<semaphore_mem>>) {add = true}
      %dma_wait3A_157 = tpu.memref_slice %arg9[%mul3A_139] : memref<3328xi32, #tpu.memory_space<vmem>> -> memref<128xi32, #tpu.memory_space<vmem>>
      %dma_wait3A_158 = arith.constant 0 : i32
      %dma_wait3A_159 = arith.constant 0 : i32
      %dma_wait3A_160 = tpu.memref_slice %arg2[%dma_wait3A_158, %dma_wait3A_159] : memref<10000x128xf32, #tpu.memory_space<hbm>> -> memref<10000x128xf32, #tpu.memory_space<hbm>>
      tpu.wait_indirect_dma semaphore(%arg18 : memref<!tpu.dma_semaphore, #tpu.memory_space<semaphore_mem>>) src(%dma_wait3A_160 : memref<10000x128xf32, #tpu.memory_space<hbm>>) dst(%arg8 : memref<128x128xf32, #tpu.memory_space<vmem>>)
      %scan3A_161 = arith.constant 0 : i32
      %scan3A_162 = arith.constant 0 : i32
      %scan3A_163 = arith.constant 8 : i32
      %scan3A_164 = arith.addi %scan3A_162, %scan3A_163 : i32
      %scan3A_165 = arith.constant 1 : i32
      scf.for %scan3A_175 = %scan3A_162 to %scan3A_164 step %scan3A_165  : i32 {
        %mul3A_176 = arith.constant 128 : i32
        %mul3A_177 = arith.muli %add3A_119, %mul3A_176 : i32
        %mul3A_178 = arith.constant 16 : i32
        %mul3A_179 = arith.muli %scan3A_175, %mul3A_178 : i32
        %add3A_180 = arith.addi %mul3A_177, %mul3A_179 : i32
        %get3A = arith.index_cast %add3A_180 : i32 to index
        %get3A_181 = tpu.vector_load %arg10[%get3A] {strides = array<i32>} : memref<3328xi32, #tpu.memory_space<vmem>>, vector<16xi32>,
        %get3A_182 = vector.shape_cast %get3A_181 : vector<16xi32> to vector<16xi32>
        %mul3A_183 = arith.constant 16 : i32
        %mul3A_184 = arith.muli %scan3A_175, %mul3A_183 : i32
        %swap3A = arith.index_cast %mul3A_184 : i32 to index
        %swap3A_185 = tpu.vector_load %arg12[%swap3A] {strides = array<i32>} : memref<128xi32, #tpu.memory_space<vmem>>, vector<16xi32>,
        %swap3A_186 = vector.shape_cast %swap3A_185 : vector<16xi32> to vector<16xi32>
        %swap3A_187 = vector.shape_cast %get3A_182 : vector<16xi32> to vector<16xi32>
        tpu.vector_store %arg12[%swap3A], %swap3A_187 {strides = array<i32>} : memref<128xi32, #tpu.memory_space<vmem>>, vector<16xi32>,
      }
      %scan3A_166 = arith.constant 8 : i32
      %dma_start3A_167 = arith.constant 0 : i32
      %dma_start3A_168 = arith.constant 0 : i32
      %dma_start3A_169 = tpu.memref_slice %arg14[%dma_start3A_167, %dma_start3A_168] : memref<10240x128xf32, #tpu.memory_space<vmem_shared>> -> memref<10240x128xf32, #tpu.memory_space<vmem_shared>>
      tpu.enqueue_indirect_dma source(%arg8 : memref<128x128xf32, #tpu.memory_space<vmem>>) target(%dma_start3A_169 : memref<10240x128xf32, #tpu.memory_space<vmem_shared>>) offsets(%arg12 : memref<128xi32, #tpu.memory_space<vmem>>) semaphore(%arg20 : memref<!tpu.dma_semaphore, #tpu.memory_space<semaphore_mem>>) {add = true}
      %lt3A_170 = arith.constant 12 : i32
      %lt3A_171 = arith.cmpi slt, %scan3A_115, %lt3A_170 : i32
      %convert_element_type3A_172 = arith.extui %lt3A_171 : i1 to i32
      %cond3A_173 = arith.constant 0 : i32
      %cond3A_174 = arith.cmpi ne, %convert_element_type3A_172, %cond3A_173 : i32
      scf.if %cond3A_174 {
        %dma_wait3A_175 = arith.constant 0 : i32
        %dma_wait3A_176 = arith.constant 0 : i32
        %dma_wait3A_177 = tpu.memref_slice %arg14[%dma_wait3A_175, %dma_wait3A_176] : memref<10240x128xf32, #tpu.memory_space<vmem_shared>> -> memref<10240x128xf32, #tpu.memory_space<vmem_shared>>
        tpu.wait_indirect_dma semaphore(%arg19 : memref<!tpu.dma_semaphore, #tpu.memory_space<semaphore_mem>>) src(%arg7 : memref<128x128xf32, #tpu.memory_space<vmem>>) dst(%dma_wait3A_177 : memref<10240x128xf32, #tpu.memory_space<vmem_shared>>)
        %add3A_178 = arith.addi %add3A_22, %mul3A_117 : i32
        %add3A_179 = arith.constant 2 : i32
        %add3A_180 = arith.addi %add3A_178, %add3A_179 : i32
        %mul3A_181 = arith.constant 128 : i32
        %mul3A_182 = arith.muli %add3A_180, %mul3A_181 : i32
        %dma_start3A_183 = arith.constant 0 : i32
        %dma_start3A_184 = tpu.memref_slice %arg5[%mul3A_182, %dma_start3A_183] : memref<320000x128xf32, #tpu.memory_space<hbm>> -> memref<128x128xf32, #tpu.memory_space<hbm>>
        %dma_start3A_185 = arith.constant 0 : i32
        %dma_start3A_186 = tpu.memref_slice %arg5[%mul3A_182, %dma_start3A_185] : memref<320000x128xf32, #tpu.memory_space<hbm>> -> memref<128x128xf32, #tpu.memory_space<hbm>>
        tpu.enqueue_dma source(%dma_start3A_186 : memref<128x128xf32, #tpu.memory_space<hbm>>) target(%arg7 : memref<128x128xf32, #tpu.memory_space<vmem>>) target_semaphore(%arg15 : memref<!tpu.dma_semaphore, #tpu.memory_space<semaphore_mem>>)
        %dma_wait3A_187 = arith.constant 0 : i32
        %dma_wait3A_188 = arith.constant 0 : i32
        %dma_wait3A_189 = tpu.memref_slice %arg14[%dma_wait3A_187, %dma_wait3A_188] : memref<10240x128xf32, #tpu.memory_space<vmem_shared>> -> memref<10240x128xf32, #tpu.memory_space<vmem_shared>>
        tpu.wait_indirect_dma semaphore(%arg20 : memref<!tpu.dma_semaphore, #tpu.memory_space<semaphore_mem>>) src(%arg8 : memref<128x128xf32, #tpu.memory_space<vmem>>) dst(%dma_wait3A_189 : memref<10240x128xf32, #tpu.memory_space<vmem_shared>>)
        %add3A_190 = arith.addi %add3A_22, %add3A_119 : i32
        %add3A_191 = arith.constant 2 : i32
        %add3A_192 = arith.addi %add3A_190, %add3A_191 : i32
        %mul3A_193 = arith.constant 128 : i32
        %mul3A_194 = arith.muli %add3A_192, %mul3A_193 : i32
        %dma_start3A_195 = arith.constant 0 : i32
        %dma_start3A_196 = tpu.memref_slice %arg5[%mul3A_194, %dma_start3A_195] : memref<320000x128xf32, #tpu.memory_space<hbm>> -> memref<128x128xf32, #tpu.memory_space<hbm>>
        %dma_start3A_197 = arith.constant 0 : i32
        %dma_start3A_198 = tpu.memref_slice %arg5[%mul3A_194, %dma_start3A_197] : memref<320000x128xf32, #tpu.memory_space<hbm>> -> memref<128x128xf32, #tpu.memory_space<hbm>>
        tpu.enqueue_dma source(%dma_start3A_198 : memref<128x128xf32, #tpu.memory_space<hbm>>) target(%arg8 : memref<128x128xf32, #tpu.memory_space<vmem>>) target_semaphore(%arg16 : memref<!tpu.dma_semaphore, #tpu.memory_space<semaphore_mem>>)
      } else {
      }
    }
    %scan3A_43 = arith.constant 13 : i32
    %dma_wait3A = arith.constant 0 : i32
    %dma_wait3A_44 = arith.constant 0 : i32
    %dma_wait3A_45 = tpu.memref_slice %arg14[%dma_wait3A, %dma_wait3A_44] : memref<10240x128xf32, #tpu.memory_space<vmem_shared>> -> memref<10240x128xf32, #tpu.memory_space<vmem_shared>>
    tpu.wait_indirect_dma semaphore(%arg19 : memref<!tpu.dma_semaphore, #tpu.memory_space<semaphore_mem>>) src(%arg7 : memref<128x128xf32, #tpu.memory_space<vmem>>) dst(%dma_wait3A_45 : memref<10240x128xf32, #tpu.memory_space<vmem_shared>>)
    %dma_wait3A_46 = arith.constant 0 : i32
    %dma_wait3A_47 = arith.constant 0 : i32
    %dma_wait3A_48 = tpu.memref_slice %arg14[%dma_wait3A_46, %dma_wait3A_47] : memref<10240x128xf32, #tpu.memory_space<vmem_shared>> -> memref<10240x128xf32, #tpu.memory_space<vmem_shared>>
    tpu.wait_indirect_dma semaphore(%arg20 : memref<!tpu.dma_semaphore, #tpu.memory_space<semaphore_mem>>) src(%arg8 : memref<128x128xf32, #tpu.memory_space<vmem>>) dst(%dma_wait3A_48 : memref<10240x128xf32, #tpu.memory_space<vmem_shared>>)
    %add3A_49 = arith.constant 26 : i32
    %add3A_50 = arith.addi %mul3A_20, %add3A_49 : i32
    %mul3A_51 = arith.constant 128 : i32
    %mul3A_52 = arith.muli %add3A_50, %mul3A_51 : i32
    "tpu.region"() ({
      %run_scoped3A = tpu.sem_alloc : memref<!tpu.dma_semaphore, #tpu.memory_space<semaphore_mem>>
      %dma_start3A_115 = tpu.memref_slice %arg3[%mul3A_52] : memref<320000xi32, #tpu.memory_space<hbm>> -> memref<3328xi32, #tpu.memory_space<hbm>>
      %dma_start3A_116 = tpu.memref_slice %arg3[%mul3A_52] : memref<320000xi32, #tpu.memory_space<hbm>> -> memref<3328xi32, #tpu.memory_space<hbm>>
      tpu.enqueue_dma source(%dma_start3A_116 : memref<3328xi32, #tpu.memory_space<hbm>>) target(%arg9 : memref<3328xi32, #tpu.memory_space<vmem>>) target_semaphore(%run_scoped3A : memref<!tpu.dma_semaphore, #tpu.memory_space<semaphore_mem>>)
      %dma_wait3A_117 = tpu.memref_slice %arg3[%mul3A_52] : memref<320000xi32, #tpu.memory_space<hbm>> -> memref<3328xi32, #tpu.memory_space<hbm>>
      %dma_wait3A_118 = tpu.memref_slice %arg3[%mul3A_52] : memref<320000xi32, #tpu.memory_space<hbm>> -> memref<3328xi32, #tpu.memory_space<hbm>>
      tpu.wait_dma2 semaphore(%run_scoped3A : memref<!tpu.dma_semaphore, #tpu.memory_space<semaphore_mem>>) src(%dma_wait3A_118 : memref<3328xi32, #tpu.memory_space<hbm>>) dst(%arg9 : memref<3328xi32, #tpu.memory_space<vmem>>)
      tpu.yield
    }) : () -> ()
    "tpu.region"() ({
      %run_scoped3A = tpu.sem_alloc : memref<!tpu.dma_semaphore, #tpu.memory_space<semaphore_mem>>
      %dma_start3A_115 = tpu.memref_slice %arg4[%mul3A_52] : memref<320000xi32, #tpu.memory_space<hbm>> -> memref<3328xi32, #tpu.memory_space<hbm>>
      %dma_start3A_116 = tpu.memref_slice %arg4[%mul3A_52] : memref<320000xi32, #tpu.memory_space<hbm>> -> memref<3328xi32, #tpu.memory_space<hbm>>
      tpu.enqueue_dma source(%dma_start3A_116 : memref<3328xi32, #tpu.memory_space<hbm>>) target(%arg10 : memref<3328xi32, #tpu.memory_space<vmem>>) target_semaphore(%run_scoped3A : memref<!tpu.dma_semaphore, #tpu.memory_space<semaphore_mem>>)
      %dma_wait3A_117 = tpu.memref_slice %arg4[%mul3A_52] : memref<320000xi32, #tpu.memory_space<hbm>> -> memref<3328xi32, #tpu.memory_space<hbm>>
      %dma_wait3A_118 = tpu.memref_slice %arg4[%mul3A_52] : memref<320000xi32, #tpu.memory_space<hbm>> -> memref<3328xi32, #tpu.memory_space<hbm>>
      tpu.wait_dma2 semaphore(%run_scoped3A : memref<!tpu.dma_semaphore, #tpu.memory_space<semaphore_mem>>) src(%dma_wait3A_118 : memref<3328xi32, #tpu.memory_space<hbm>>) dst(%arg10 : memref<3328xi32, #tpu.memory_space<vmem>>)
      tpu.yield
    }) : () -> ()
    %mul3A_53 = arith.constant 128 : i32
    %mul3A_54 = arith.muli %add3A_50, %mul3A_53 : i32
    %dma_start3A_55 = arith.constant 0 : i32
    %dma_start3A_56 = tpu.memref_slice %arg5[%mul3A_54, %dma_start3A_55] : memref<320000x128xf32, #tpu.memory_space<hbm>> -> memref<128x128xf32, #tpu.memory_space<hbm>>
    %dma_start3A_57 = arith.constant 0 : i32
    %dma_start3A_58 = tpu.memref_slice %arg5[%mul3A_54, %dma_start3A_57] : memref<320000x128xf32, #tpu.memory_space<hbm>> -> memref<128x128xf32, #tpu.memory_space<hbm>>
    tpu.enqueue_dma source(%dma_start3A_58 : memref<128x128xf32, #tpu.memory_space<hbm>>) target(%arg7 : memref<128x128xf32, #tpu.memory_space<vmem>>) target_semaphore(%arg15 : memref<!tpu.dma_semaphore, #tpu.memory_space<semaphore_mem>>)
    %add3A_59 = arith.constant 1 : i32
    %add3A_60 = arith.addi %add3A_50, %add3A_59 : i32
    %mul3A_61 = arith.constant 128 : i32
    %mul3A_62 = arith.muli %add3A_60, %mul3A_61 : i32
    %dma_start3A_63 = arith.constant 0 : i32
    %dma_start3A_64 = tpu.memref_slice %arg5[%mul3A_62, %dma_start3A_63] : memref<320000x128xf32, #tpu.memory_space<hbm>> -> memref<128x128xf32, #tpu.memory_space<hbm>>
    %dma_start3A_65 = arith.constant 0 : i32
    %dma_start3A_66 = tpu.memref_slice %arg5[%mul3A_62, %dma_start3A_65] : memref<320000x128xf32, #tpu.memory_space<hbm>> -> memref<128x128xf32, #tpu.memory_space<hbm>>
    tpu.enqueue_dma source(%dma_start3A_66 : memref<128x128xf32, #tpu.memory_space<hbm>>) target(%arg8 : memref<128x128xf32, #tpu.memory_space<vmem>>) target_semaphore(%arg16 : memref<!tpu.dma_semaphore, #tpu.memory_space<semaphore_mem>>)
    %scan3A_67 = arith.constant 0 : i32
    %scan3A_68 = arith.constant 0 : i32
    %scan3A_69 = arith.constant 13 : i32
    %scan3A_70 = arith.addi %scan3A_68, %scan3A_69 : i32
    %scan3A_71 = arith.constant 1 : i32
    scf.for %scan3A_115 = %scan3A_68 to %scan3A_70 step %scan3A_71  : i32 {
      %mul3A_116 = arith.constant 2 : i32
      %mul3A_117 = arith.muli %mul3A_116, %scan3A_115 : i32
      %add3A_118 = arith.constant 1 : i32
      %add3A_119 = arith.addi %mul3A_117, %add3A_118 : i32
      %dma_wait3A_120 = arith.constant 0 : i32
      %dma_wait3A_121 = arith.constant 0 : i32
      %dma_wait3A_122 = tpu.memref_slice %arg5[%dma_wait3A_120, %dma_wait3A_121] : memref<320000x128xf32, #tpu.memory_space<hbm>> -> memref<128x128xf32, #tpu.memory_space<hbm>>
      %dma_wait3A_123 = arith.constant 0 : i32
      %dma_wait3A_124 = arith.constant 0 : i32
      %dma_wait3A_125 = tpu.memref_slice %arg5[%dma_wait3A_123, %dma_wait3A_124] : memref<320000x128xf32, #tpu.memory_space<hbm>> -> memref<128x128xf32, #tpu.memory_space<hbm>>
      tpu.wait_dma2 semaphore(%arg15 : memref<!tpu.dma_semaphore, #tpu.memory_space<semaphore_mem>>) src(%dma_wait3A_125 : memref<128x128xf32, #tpu.memory_space<hbm>>) dst(%arg7 : memref<128x128xf32, #tpu.memory_space<vmem>>)
      %mul3A_126 = arith.constant 128 : i32
      %mul3A_127 = arith.muli %mul3A_117, %mul3A_126 : i32
      %dma_start3A_128 = tpu.memref_slice %arg9[%mul3A_127] : memref<3328xi32, #tpu.memory_space<vmem>> -> memref<128xi32, #tpu.memory_space<vmem>>
      %dma_start3A_129 = arith.constant 0 : i32
      %dma_start3A_130 = arith.constant 0 : i32
      %dma_start3A_131 = tpu.memref_slice %arg2[%dma_start3A_129, %dma_start3A_130] : memref<10000x128xf32, #tpu.memory_space<hbm>> -> memref<10000x128xf32, #tpu.memory_space<hbm>>
      tpu.enqueue_indirect_dma source(%dma_start3A_131 : memref<10000x128xf32, #tpu.memory_space<hbm>>) target(%arg7 : memref<128x128xf32, #tpu.memory_space<vmem>>) offsets(%dma_start3A_128 : memref<128xi32, #tpu.memory_space<vmem>>) semaphore(%arg17 : memref<!tpu.dma_semaphore, #tpu.memory_space<semaphore_mem>>) {add = true}
      %dma_wait3A_132 = arith.constant 0 : i32
      %dma_wait3A_133 = arith.constant 0 : i32
      %dma_wait3A_134 = tpu.memref_slice %arg5[%dma_wait3A_132, %dma_wait3A_133] : memref<320000x128xf32, #tpu.memory_space<hbm>> -> memref<128x128xf32, #tpu.memory_space<hbm>>
      %dma_wait3A_135 = arith.constant 0 : i32
      %dma_wait3A_136 = arith.constant 0 : i32
      %dma_wait3A_137 = tpu.memref_slice %arg5[%dma_wait3A_135, %dma_wait3A_136] : memref<320000x128xf32, #tpu.memory_space<hbm>> -> memref<128x128xf32, #tpu.memory_space<hbm>>
      tpu.wait_dma2 semaphore(%arg16 : memref<!tpu.dma_semaphore, #tpu.memory_space<semaphore_mem>>) src(%dma_wait3A_137 : memref<128x128xf32, #tpu.memory_space<hbm>>) dst(%arg8 : memref<128x128xf32, #tpu.memory_space<vmem>>)
      %mul3A_138 = arith.constant 128 : i32
      %mul3A_139 = arith.muli %add3A_119, %mul3A_138 : i32
      %dma_start3A_140 = tpu.memref_slice %arg9[%mul3A_139] : memref<3328xi32, #tpu.memory_space<vmem>> -> memref<128xi32, #tpu.memory_space<vmem>>
      %dma_start3A_141 = arith.constant 0 : i32
      %dma_start3A_142 = arith.constant 0 : i32
      %dma_start3A_143 = tpu.memref_slice %arg2[%dma_start3A_141, %dma_start3A_142] : memref<10000x128xf32, #tpu.memory_space<hbm>> -> memref<10000x128xf32, #tpu.memory_space<hbm>>
      tpu.enqueue_indirect_dma source(%dma_start3A_143 : memref<10000x128xf32, #tpu.memory_space<hbm>>) target(%arg8 : memref<128x128xf32, #tpu.memory_space<vmem>>) offsets(%dma_start3A_140 : memref<128xi32, #tpu.memory_space<vmem>>) semaphore(%arg18 : memref<!tpu.dma_semaphore, #tpu.memory_space<semaphore_mem>>) {add = true}
      %dma_wait3A_144 = tpu.memref_slice %arg9[%mul3A_127] : memref<3328xi32, #tpu.memory_space<vmem>> -> memref<128xi32, #tpu.memory_space<vmem>>
      %dma_wait3A_145 = arith.constant 0 : i32
      %dma_wait3A_146 = arith.constant 0 : i32
      %dma_wait3A_147 = tpu.memref_slice %arg2[%dma_wait3A_145, %dma_wait3A_146] : memref<10000x128xf32, #tpu.memory_space<hbm>> -> memref<10000x128xf32, #tpu.memory_space<hbm>>
      tpu.wait_indirect_dma semaphore(%arg17 : memref<!tpu.dma_semaphore, #tpu.memory_space<semaphore_mem>>) src(%dma_wait3A_147 : memref<10000x128xf32, #tpu.memory_space<hbm>>) dst(%arg7 : memref<128x128xf32, #tpu.memory_space<vmem>>)
      %scan3A_148 = arith.constant 0 : i32
      %scan3A_149 = arith.constant 0 : i32
      %scan3A_150 = arith.constant 8 : i32
      %scan3A_151 = arith.addi %scan3A_149, %scan3A_150 : i32
      %scan3A_152 = arith.constant 1 : i32
      scf.for %scan3A_175 = %scan3A_149 to %scan3A_151 step %scan3A_152  : i32 {
        %mul3A_176 = arith.constant 128 : i32
        %mul3A_177 = arith.muli %mul3A_117, %mul3A_176 : i32
        %mul3A_178 = arith.constant 16 : i32
        %mul3A_179 = arith.muli %scan3A_175, %mul3A_178 : i32
        %add3A_180 = arith.addi %mul3A_177, %mul3A_179 : i32
        %get3A = arith.index_cast %add3A_180 : i32 to index
        %get3A_181 = tpu.vector_load %arg10[%get3A] {strides = array<i32>} : memref<3328xi32, #tpu.memory_space<vmem>>, vector<16xi32>,
        %get3A_182 = vector.shape_cast %get3A_181 : vector<16xi32> to vector<16xi32>
        %mul3A_183 = arith.constant 16 : i32
        %mul3A_184 = arith.muli %scan3A_175, %mul3A_183 : i32
        %swap3A = arith.index_cast %mul3A_184 : i32 to index
        %swap3A_185 = tpu.vector_load %arg11[%swap3A] {strides = array<i32>} : memref<128xi32, #tpu.memory_space<vmem>>, vector<16xi32>,
        %swap3A_186 = vector.shape_cast %swap3A_185 : vector<16xi32> to vector<16xi32>
        %swap3A_187 = vector.shape_cast %get3A_182 : vector<16xi32> to vector<16xi32>
        tpu.vector_store %arg11[%swap3A], %swap3A_187 {strides = array<i32>} : memref<128xi32, #tpu.memory_space<vmem>>, vector<16xi32>,
      }
      %scan3A_153 = arith.constant 8 : i32
      %dma_start3A_154 = arith.constant 0 : i32
      %dma_start3A_155 = arith.constant 0 : i32
      %dma_start3A_156 = tpu.memref_slice %arg14[%dma_start3A_154, %dma_start3A_155] : memref<10240x128xf32, #tpu.memory_space<vmem_shared>> -> memref<10240x128xf32, #tpu.memory_space<vmem_shared>>
      tpu.enqueue_indirect_dma source(%arg7 : memref<128x128xf32, #tpu.memory_space<vmem>>) target(%dma_start3A_156 : memref<10240x128xf32, #tpu.memory_space<vmem_shared>>) offsets(%arg11 : memref<128xi32, #tpu.memory_space<vmem>>) semaphore(%arg19 : memref<!tpu.dma_semaphore, #tpu.memory_space<semaphore_mem>>) {add = true}
      %dma_wait3A_157 = tpu.memref_slice %arg9[%mul3A_139] : memref<3328xi32, #tpu.memory_space<vmem>> -> memref<128xi32, #tpu.memory_space<vmem>>
      %dma_wait3A_158 = arith.constant 0 : i32
      %dma_wait3A_159 = arith.constant 0 : i32
      %dma_wait3A_160 = tpu.memref_slice %arg2[%dma_wait3A_158, %dma_wait3A_159] : memref<10000x128xf32, #tpu.memory_space<hbm>> -> memref<10000x128xf32, #tpu.memory_space<hbm>>
      tpu.wait_indirect_dma semaphore(%arg18 : memref<!tpu.dma_semaphore, #tpu.memory_space<semaphore_mem>>) src(%dma_wait3A_160 : memref<10000x128xf32, #tpu.memory_space<hbm>>) dst(%arg8 : memref<128x128xf32, #tpu.memory_space<vmem>>)
      %scan3A_161 = arith.constant 0 : i32
      %scan3A_162 = arith.constant 0 : i32
      %scan3A_163 = arith.constant 8 : i32
      %scan3A_164 = arith.addi %scan3A_162, %scan3A_163 : i32
      %scan3A_165 = arith.constant 1 : i32
      scf.for %scan3A_175 = %scan3A_162 to %scan3A_164 step %scan3A_165  : i32 {
        %mul3A_176 = arith.constant 128 : i32
        %mul3A_177 = arith.muli %add3A_119, %mul3A_176 : i32
        %mul3A_178 = arith.constant 16 : i32
        %mul3A_179 = arith.muli %scan3A_175, %mul3A_178 : i32
        %add3A_180 = arith.addi %mul3A_177, %mul3A_179 : i32
        %get3A = arith.index_cast %add3A_180 : i32 to index
        %get3A_181 = tpu.vector_load %arg10[%get3A] {strides = array<i32>} : memref<3328xi32, #tpu.memory_space<vmem>>, vector<16xi32>,
        %get3A_182 = vector.shape_cast %get3A_181 : vector<16xi32> to vector<16xi32>
        %mul3A_183 = arith.constant 16 : i32
        %mul3A_184 = arith.muli %scan3A_175, %mul3A_183 : i32
        %swap3A = arith.index_cast %mul3A_184 : i32 to index
        %swap3A_185 = tpu.vector_load %arg12[%swap3A] {strides = array<i32>} : memref<128xi32, #tpu.memory_space<vmem>>, vector<16xi32>,
        %swap3A_186 = vector.shape_cast %swap3A_185 : vector<16xi32> to vector<16xi32>
        %swap3A_187 = vector.shape_cast %get3A_182 : vector<16xi32> to vector<16xi32>
        tpu.vector_store %arg12[%swap3A], %swap3A_187 {strides = array<i32>} : memref<128xi32, #tpu.memory_space<vmem>>, vector<16xi32>,
      }
      %scan3A_166 = arith.constant 8 : i32
      %dma_start3A_167 = arith.constant 0 : i32
      %dma_start3A_168 = arith.constant 0 : i32
      %dma_start3A_169 = tpu.memref_slice %arg14[%dma_start3A_167, %dma_start3A_168] : memref<10240x128xf32, #tpu.memory_space<vmem_shared>> -> memref<10240x128xf32, #tpu.memory_space<vmem_shared>>
      tpu.enqueue_indirect_dma source(%arg8 : memref<128x128xf32, #tpu.memory_space<vmem>>) target(%dma_start3A_169 : memref<10240x128xf32, #tpu.memory_space<vmem_shared>>) offsets(%arg12 : memref<128xi32, #tpu.memory_space<vmem>>) semaphore(%arg20 : memref<!tpu.dma_semaphore, #tpu.memory_space<semaphore_mem>>) {add = true}
      %lt3A_170 = arith.constant 12 : i32
      %lt3A_171 = arith.cmpi slt, %scan3A_115, %lt3A_170 : i32
      %convert_element_type3A_172 = arith.extui %lt3A_171 : i1 to i32
      %cond3A_173 = arith.constant 0 : i32
      %cond3A_174 = arith.cmpi ne, %convert_element_type3A_172, %cond3A_173 : i32
      scf.if %cond3A_174 {
        %dma_wait3A_175 = arith.constant 0 : i32
        %dma_wait3A_176 = arith.constant 0 : i32
        %dma_wait3A_177 = tpu.memref_slice %arg14[%dma_wait3A_175, %dma_wait3A_176] : memref<10240x128xf32, #tpu.memory_space<vmem_shared>> -> memref<10240x128xf32, #tpu.memory_space<vmem_shared>>
        tpu.wait_indirect_dma semaphore(%arg19 : memref<!tpu.dma_semaphore, #tpu.memory_space<semaphore_mem>>) src(%arg7 : memref<128x128xf32, #tpu.memory_space<vmem>>) dst(%dma_wait3A_177 : memref<10240x128xf32, #tpu.memory_space<vmem_shared>>)
        %add3A_178 = arith.addi %add3A_50, %mul3A_117 : i32
        %add3A_179 = arith.constant 2 : i32
        %add3A_180 = arith.addi %add3A_178, %add3A_179 : i32
        %mul3A_181 = arith.constant 128 : i32
        %mul3A_182 = arith.muli %add3A_180, %mul3A_181 : i32
        %dma_start3A_183 = arith.constant 0 : i32
        %dma_start3A_184 = tpu.memref_slice %arg5[%mul3A_182, %dma_start3A_183] : memref<320000x128xf32, #tpu.memory_space<hbm>> -> memref<128x128xf32, #tpu.memory_space<hbm>>
        %dma_start3A_185 = arith.constant 0 : i32
        %dma_start3A_186 = tpu.memref_slice %arg5[%mul3A_182, %dma_start3A_185] : memref<320000x128xf32, #tpu.memory_space<hbm>> -> memref<128x128xf32, #tpu.memory_space<hbm>>
        tpu.enqueue_dma source(%dma_start3A_186 : memref<128x128xf32, #tpu.memory_space<hbm>>) target(%arg7 : memref<128x128xf32, #tpu.memory_space<vmem>>) target_semaphore(%arg15 : memref<!tpu.dma_semaphore, #tpu.memory_space<semaphore_mem>>)
        %dma_wait3A_187 = arith.constant 0 : i32
        %dma_wait3A_188 = arith.constant 0 : i32
        %dma_wait3A_189 = tpu.memref_slice %arg14[%dma_wait3A_187, %dma_wait3A_188] : memref<10240x128xf32, #tpu.memory_space<vmem_shared>> -> memref<10240x128xf32, #tpu.memory_space<vmem_shared>>
        tpu.wait_indirect_dma semaphore(%arg20 : memref<!tpu.dma_semaphore, #tpu.memory_space<semaphore_mem>>) src(%arg8 : memref<128x128xf32, #tpu.memory_space<vmem>>) dst(%dma_wait3A_189 : memref<10240x128xf32, #tpu.memory_space<vmem_shared>>)
        %add3A_190 = arith.addi %add3A_50, %add3A_119 : i32
        %add3A_191 = arith.constant 2 : i32
        %add3A_192 = arith.addi %add3A_190, %add3A_191 : i32
        %mul3A_193 = arith.constant 128 : i32
        %mul3A_194 = arith.muli %add3A_192, %mul3A_193 : i32
        %dma_start3A_195 = arith.constant 0 : i32
        %dma_start3A_196 = tpu.memref_slice %arg5[%mul3A_194, %dma_start3A_195] : memref<320000x128xf32, #tpu.memory_space<hbm>> -> memref<128x128xf32, #tpu.memory_space<hbm>>
        %dma_start3A_197 = arith.constant 0 : i32
        %dma_start3A_198 = tpu.memref_slice %arg5[%mul3A_194, %dma_start3A_197] : memref<320000x128xf32, #tpu.memory_space<hbm>> -> memref<128x128xf32, #tpu.memory_space<hbm>>
        tpu.enqueue_dma source(%dma_start3A_198 : memref<128x128xf32, #tpu.memory_space<hbm>>) target(%arg8 : memref<128x128xf32, #tpu.memory_space<vmem>>) target_semaphore(%arg16 : memref<!tpu.dma_semaphore, #tpu.memory_space<semaphore_mem>>)
      } else {
      }
    }
    %scan3A_72 = arith.constant 13 : i32
    %dma_wait3A_73 = arith.constant 0 : i32
    %dma_wait3A_74 = arith.constant 0 : i32
    %dma_wait3A_75 = tpu.memref_slice %arg14[%dma_wait3A_73, %dma_wait3A_74] : memref<10240x128xf32, #tpu.memory_space<vmem_shared>> -> memref<10240x128xf32, #tpu.memory_space<vmem_shared>>
    tpu.wait_indirect_dma semaphore(%arg19 : memref<!tpu.dma_semaphore, #tpu.memory_space<semaphore_mem>>) src(%arg7 : memref<128x128xf32, #tpu.memory_space<vmem>>) dst(%dma_wait3A_75 : memref<10240x128xf32, #tpu.memory_space<vmem_shared>>)
    %dma_wait3A_76 = arith.constant 0 : i32
    %dma_wait3A_77 = arith.constant 0 : i32
    %dma_wait3A_78 = tpu.memref_slice %arg14[%dma_wait3A_76, %dma_wait3A_77] : memref<10240x128xf32, #tpu.memory_space<vmem_shared>> -> memref<10240x128xf32, #tpu.memory_space<vmem_shared>>
    tpu.wait_indirect_dma semaphore(%arg20 : memref<!tpu.dma_semaphore, #tpu.memory_space<semaphore_mem>>) src(%arg8 : memref<128x128xf32, #tpu.memory_space<vmem>>) dst(%dma_wait3A_78 : memref<10240x128xf32, #tpu.memory_space<vmem_shared>>)
    %add3A_79 = arith.constant 52 : i32
    %add3A_80 = arith.addi %mul3A_20, %add3A_79 : i32
    %mul3A_81 = arith.constant 128 : i32
    %mul3A_82 = arith.muli %add3A_80, %mul3A_81 : i32
    "tpu.region"() ({
      %run_scoped3A = tpu.sem_alloc : memref<!tpu.dma_semaphore, #tpu.memory_space<semaphore_mem>>
      %dma_start3A_115 = tpu.memref_slice %arg3[%mul3A_82] : memref<320000xi32, #tpu.memory_space<hbm>> -> memref<3328xi32, #tpu.memory_space<hbm>>
      %dma_start3A_116 = tpu.memref_slice %arg3[%mul3A_82] : memref<320000xi32, #tpu.memory_space<hbm>> -> memref<3328xi32, #tpu.memory_space<hbm>>
      tpu.enqueue_dma source(%dma_start3A_116 : memref<3328xi32, #tpu.memory_space<hbm>>) target(%arg9 : memref<3328xi32, #tpu.memory_space<vmem>>) target_semaphore(%run_scoped3A : memref<!tpu.dma_semaphore, #tpu.memory_space<semaphore_mem>>)
      %dma_wait3A_117 = tpu.memref_slice %arg3[%mul3A_82] : memref<320000xi32, #tpu.memory_space<hbm>> -> memref<3328xi32, #tpu.memory_space<hbm>>
      %dma_wait3A_118 = tpu.memref_slice %arg3[%mul3A_82] : memref<320000xi32, #tpu.memory_space<hbm>> -> memref<3328xi32, #tpu.memory_space<hbm>>
      tpu.wait_dma2 semaphore(%run_scoped3A : memref<!tpu.dma_semaphore, #tpu.memory_space<semaphore_mem>>) src(%dma_wait3A_118 : memref<3328xi32, #tpu.memory_space<hbm>>) dst(%arg9 : memref<3328xi32, #tpu.memory_space<vmem>>)
      tpu.yield
    }) : () -> ()
    "tpu.region"() ({
      %run_scoped3A = tpu.sem_alloc : memref<!tpu.dma_semaphore, #tpu.memory_space<semaphore_mem>>
      %dma_start3A_115 = tpu.memref_slice %arg4[%mul3A_82] : memref<320000xi32, #tpu.memory_space<hbm>> -> memref<3328xi32, #tpu.memory_space<hbm>>
      %dma_start3A_116 = tpu.memref_slice %arg4[%mul3A_82] : memref<320000xi32, #tpu.memory_space<hbm>> -> memref<3328xi32, #tpu.memory_space<hbm>>
      tpu.enqueue_dma source(%dma_start3A_116 : memref<3328xi32, #tpu.memory_space<hbm>>) target(%arg10 : memref<3328xi32, #tpu.memory_space<vmem>>) target_semaphore(%run_scoped3A : memref<!tpu.dma_semaphore, #tpu.memory_space<semaphore_mem>>)
      %dma_wait3A_117 = tpu.memref_slice %arg4[%mul3A_82] : memref<320000xi32, #tpu.memory_space<hbm>> -> memref<3328xi32, #tpu.memory_space<hbm>>
      %dma_wait3A_118 = tpu.memref_slice %arg4[%mul3A_82] : memref<320000xi32, #tpu.memory_space<hbm>> -> memref<3328xi32, #tpu.memory_space<hbm>>
      tpu.wait_dma2 semaphore(%run_scoped3A : memref<!tpu.dma_semaphore, #tpu.memory_space<semaphore_mem>>) src(%dma_wait3A_118 : memref<3328xi32, #tpu.memory_space<hbm>>) dst(%arg10 : memref<3328xi32, #tpu.memory_space<vmem>>)
      tpu.yield
    }) : () -> ()
    %mul3A_83 = arith.constant 128 : i32
    %mul3A_84 = arith.muli %add3A_80, %mul3A_83 : i32
    %dma_start3A_85 = arith.constant 0 : i32
    %dma_start3A_86 = tpu.memref_slice %arg5[%mul3A_84, %dma_start3A_85] : memref<320000x128xf32, #tpu.memory_space<hbm>> -> memref<128x128xf32, #tpu.memory_space<hbm>>
    %dma_start3A_87 = arith.constant 0 : i32
    %dma_start3A_88 = tpu.memref_slice %arg5[%mul3A_84, %dma_start3A_87] : memref<320000x128xf32, #tpu.memory_space<hbm>> -> memref<128x128xf32, #tpu.memory_space<hbm>>
    tpu.enqueue_dma source(%dma_start3A_88 : memref<128x128xf32, #tpu.memory_space<hbm>>) target(%arg7 : memref<128x128xf32, #tpu.memory_space<vmem>>) target_semaphore(%arg15 : memref<!tpu.dma_semaphore, #tpu.memory_space<semaphore_mem>>)
    %add3A_89 = arith.constant 1 : i32
    %add3A_90 = arith.addi %add3A_80, %add3A_89 : i32
    %mul3A_91 = arith.constant 128 : i32
    %mul3A_92 = arith.muli %add3A_90, %mul3A_91 : i32
    %dma_start3A_93 = arith.constant 0 : i32
    %dma_start3A_94 = tpu.memref_slice %arg5[%mul3A_92, %dma_start3A_93] : memref<320000x128xf32, #tpu.memory_space<hbm>> -> memref<128x128xf32, #tpu.memory_space<hbm>>
    %dma_start3A_95 = arith.constant 0 : i32
    %dma_start3A_96 = tpu.memref_slice %arg5[%mul3A_92, %dma_start3A_95] : memref<320000x128xf32, #tpu.memory_space<hbm>> -> memref<128x128xf32, #tpu.memory_space<hbm>>
    tpu.enqueue_dma source(%dma_start3A_96 : memref<128x128xf32, #tpu.memory_space<hbm>>) target(%arg8 : memref<128x128xf32, #tpu.memory_space<vmem>>) target_semaphore(%arg16 : memref<!tpu.dma_semaphore, #tpu.memory_space<semaphore_mem>>)
    %scan3A_97 = arith.constant 0 : i32
    %scan3A_98 = arith.constant 0 : i32
    %scan3A_99 = arith.constant 13 : i32
    %scan3A_100 = arith.addi %scan3A_98, %scan3A_99 : i32
    %scan3A_101 = arith.constant 1 : i32
    scf.for %scan3A_115 = %scan3A_98 to %scan3A_100 step %scan3A_101  : i32 {
      %mul3A_116 = arith.constant 2 : i32
      %mul3A_117 = arith.muli %mul3A_116, %scan3A_115 : i32
      %add3A_118 = arith.constant 1 : i32
      %add3A_119 = arith.addi %mul3A_117, %add3A_118 : i32
      %dma_wait3A_120 = arith.constant 0 : i32
      %dma_wait3A_121 = arith.constant 0 : i32
      %dma_wait3A_122 = tpu.memref_slice %arg5[%dma_wait3A_120, %dma_wait3A_121] : memref<320000x128xf32, #tpu.memory_space<hbm>> -> memref<128x128xf32, #tpu.memory_space<hbm>>
      %dma_wait3A_123 = arith.constant 0 : i32
      %dma_wait3A_124 = arith.constant 0 : i32
      %dma_wait3A_125 = tpu.memref_slice %arg5[%dma_wait3A_123, %dma_wait3A_124] : memref<320000x128xf32, #tpu.memory_space<hbm>> -> memref<128x128xf32, #tpu.memory_space<hbm>>
      tpu.wait_dma2 semaphore(%arg15 : memref<!tpu.dma_semaphore, #tpu.memory_space<semaphore_mem>>) src(%dma_wait3A_125 : memref<128x128xf32, #tpu.memory_space<hbm>>) dst(%arg7 : memref<128x128xf32, #tpu.memory_space<vmem>>)
      %mul3A_126 = arith.constant 128 : i32
      %mul3A_127 = arith.muli %mul3A_117, %mul3A_126 : i32
      %dma_start3A_128 = tpu.memref_slice %arg9[%mul3A_127] : memref<3328xi32, #tpu.memory_space<vmem>> -> memref<128xi32, #tpu.memory_space<vmem>>
      %dma_start3A_129 = arith.constant 0 : i32
      %dma_start3A_130 = arith.constant 0 : i32
      %dma_start3A_131 = tpu.memref_slice %arg2[%dma_start3A_129, %dma_start3A_130] : memref<10000x128xf32, #tpu.memory_space<hbm>> -> memref<10000x128xf32, #tpu.memory_space<hbm>>
      tpu.enqueue_indirect_dma source(%dma_start3A_131 : memref<10000x128xf32, #tpu.memory_space<hbm>>) target(%arg7 : memref<128x128xf32, #tpu.memory_space<vmem>>) offsets(%dma_start3A_128 : memref<128xi32, #tpu.memory_space<vmem>>) semaphore(%arg17 : memref<!tpu.dma_semaphore, #tpu.memory_space<semaphore_mem>>) {add = true}
      %dma_wait3A_132 = arith.constant 0 : i32
      %dma_wait3A_133 = arith.constant 0 : i32
      %dma_wait3A_134 = tpu.memref_slice %arg5[%dma_wait3A_132, %dma_wait3A_133] : memref<320000x128xf32, #tpu.memory_space<hbm>> -> memref<128x128xf32, #tpu.memory_space<hbm>>
      %dma_wait3A_135 = arith.constant 0 : i32
      %dma_wait3A_136 = arith.constant 0 : i32
      %dma_wait3A_137 = tpu.memref_slice %arg5[%dma_wait3A_135, %dma_wait3A_136] : memref<320000x128xf32, #tpu.memory_space<hbm>> -> memref<128x128xf32, #tpu.memory_space<hbm>>
      tpu.wait_dma2 semaphore(%arg16 : memref<!tpu.dma_semaphore, #tpu.memory_space<semaphore_mem>>) src(%dma_wait3A_137 : memref<128x128xf32, #tpu.memory_space<hbm>>) dst(%arg8 : memref<128x128xf32, #tpu.memory_space<vmem>>)
      %mul3A_138 = arith.constant 128 : i32
      %mul3A_139 = arith.muli %add3A_119, %mul3A_138 : i32
      %dma_start3A_140 = tpu.memref_slice %arg9[%mul3A_139] : memref<3328xi32, #tpu.memory_space<vmem>> -> memref<128xi32, #tpu.memory_space<vmem>>
      %dma_start3A_141 = arith.constant 0 : i32
      %dma_start3A_142 = arith.constant 0 : i32
      %dma_start3A_143 = tpu.memref_slice %arg2[%dma_start3A_141, %dma_start3A_142] : memref<10000x128xf32, #tpu.memory_space<hbm>> -> memref<10000x128xf32, #tpu.memory_space<hbm>>
      tpu.enqueue_indirect_dma source(%dma_start3A_143 : memref<10000x128xf32, #tpu.memory_space<hbm>>) target(%arg8 : memref<128x128xf32, #tpu.memory_space<vmem>>) offsets(%dma_start3A_140 : memref<128xi32, #tpu.memory_space<vmem>>) semaphore(%arg18 : memref<!tpu.dma_semaphore, #tpu.memory_space<semaphore_mem>>) {add = true}
      %dma_wait3A_144 = tpu.memref_slice %arg9[%mul3A_127] : memref<3328xi32, #tpu.memory_space<vmem>> -> memref<128xi32, #tpu.memory_space<vmem>>
      %dma_wait3A_145 = arith.constant 0 : i32
      %dma_wait3A_146 = arith.constant 0 : i32
      %dma_wait3A_147 = tpu.memref_slice %arg2[%dma_wait3A_145, %dma_wait3A_146] : memref<10000x128xf32, #tpu.memory_space<hbm>> -> memref<10000x128xf32, #tpu.memory_space<hbm>>
      tpu.wait_indirect_dma semaphore(%arg17 : memref<!tpu.dma_semaphore, #tpu.memory_space<semaphore_mem>>) src(%dma_wait3A_147 : memref<10000x128xf32, #tpu.memory_space<hbm>>) dst(%arg7 : memref<128x128xf32, #tpu.memory_space<vmem>>)
      %scan3A_148 = arith.constant 0 : i32
      %scan3A_149 = arith.constant 0 : i32
      %scan3A_150 = arith.constant 8 : i32
      %scan3A_151 = arith.addi %scan3A_149, %scan3A_150 : i32
      %scan3A_152 = arith.constant 1 : i32
      scf.for %scan3A_175 = %scan3A_149 to %scan3A_151 step %scan3A_152  : i32 {
        %mul3A_176 = arith.constant 128 : i32
        %mul3A_177 = arith.muli %mul3A_117, %mul3A_176 : i32
        %mul3A_178 = arith.constant 16 : i32
        %mul3A_179 = arith.muli %scan3A_175, %mul3A_178 : i32
        %add3A_180 = arith.addi %mul3A_177, %mul3A_179 : i32
        %get3A = arith.index_cast %add3A_180 : i32 to index
        %get3A_181 = tpu.vector_load %arg10[%get3A] {strides = array<i32>} : memref<3328xi32, #tpu.memory_space<vmem>>, vector<16xi32>,
        %get3A_182 = vector.shape_cast %get3A_181 : vector<16xi32> to vector<16xi32>
        %mul3A_183 = arith.constant 16 : i32
        %mul3A_184 = arith.muli %scan3A_175, %mul3A_183 : i32
        %swap3A = arith.index_cast %mul3A_184 : i32 to index
        %swap3A_185 = tpu.vector_load %arg11[%swap3A] {strides = array<i32>} : memref<128xi32, #tpu.memory_space<vmem>>, vector<16xi32>,
        %swap3A_186 = vector.shape_cast %swap3A_185 : vector<16xi32> to vector<16xi32>
        %swap3A_187 = vector.shape_cast %get3A_182 : vector<16xi32> to vector<16xi32>
        tpu.vector_store %arg11[%swap3A], %swap3A_187 {strides = array<i32>} : memref<128xi32, #tpu.memory_space<vmem>>, vector<16xi32>,
      }
      %scan3A_153 = arith.constant 8 : i32
      %dma_start3A_154 = arith.constant 0 : i32
      %dma_start3A_155 = arith.constant 0 : i32
      %dma_start3A_156 = tpu.memref_slice %arg14[%dma_start3A_154, %dma_start3A_155] : memref<10240x128xf32, #tpu.memory_space<vmem_shared>> -> memref<10240x128xf32, #tpu.memory_space<vmem_shared>>
      tpu.enqueue_indirect_dma source(%arg7 : memref<128x128xf32, #tpu.memory_space<vmem>>) target(%dma_start3A_156 : memref<10240x128xf32, #tpu.memory_space<vmem_shared>>) offsets(%arg11 : memref<128xi32, #tpu.memory_space<vmem>>) semaphore(%arg19 : memref<!tpu.dma_semaphore, #tpu.memory_space<semaphore_mem>>) {add = true}
      %dma_wait3A_157 = tpu.memref_slice %arg9[%mul3A_139] : memref<3328xi32, #tpu.memory_space<vmem>> -> memref<128xi32, #tpu.memory_space<vmem>>
      %dma_wait3A_158 = arith.constant 0 : i32
      %dma_wait3A_159 = arith.constant 0 : i32
      %dma_wait3A_160 = tpu.memref_slice %arg2[%dma_wait3A_158, %dma_wait3A_159] : memref<10000x128xf32, #tpu.memory_space<hbm>> -> memref<10000x128xf32, #tpu.memory_space<hbm>>
      tpu.wait_indirect_dma semaphore(%arg18 : memref<!tpu.dma_semaphore, #tpu.memory_space<semaphore_mem>>) src(%dma_wait3A_160 : memref<10000x128xf32, #tpu.memory_space<hbm>>) dst(%arg8 : memref<128x128xf32, #tpu.memory_space<vmem>>)
      %scan3A_161 = arith.constant 0 : i32
      %scan3A_162 = arith.constant 0 : i32
      %scan3A_163 = arith.constant 8 : i32
      %scan3A_164 = arith.addi %scan3A_162, %scan3A_163 : i32
      %scan3A_165 = arith.constant 1 : i32
      scf.for %scan3A_175 = %scan3A_162 to %scan3A_164 step %scan3A_165  : i32 {
        %mul3A_176 = arith.constant 128 : i32
        %mul3A_177 = arith.muli %add3A_119, %mul3A_176 : i32
        %mul3A_178 = arith.constant 16 : i32
        %mul3A_179 = arith.muli %scan3A_175, %mul3A_178 : i32
        %add3A_180 = arith.addi %mul3A_177, %mul3A_179 : i32
        %get3A = arith.index_cast %add3A_180 : i32 to index
        %get3A_181 = tpu.vector_load %arg10[%get3A] {strides = array<i32>} : memref<3328xi32, #tpu.memory_space<vmem>>, vector<16xi32>,
        %get3A_182 = vector.shape_cast %get3A_181 : vector<16xi32> to vector<16xi32>
        %mul3A_183 = arith.constant 16 : i32
        %mul3A_184 = arith.muli %scan3A_175, %mul3A_183 : i32
        %swap3A = arith.index_cast %mul3A_184 : i32 to index
        %swap3A_185 = tpu.vector_load %arg12[%swap3A] {strides = array<i32>} : memref<128xi32, #tpu.memory_space<vmem>>, vector<16xi32>,
        %swap3A_186 = vector.shape_cast %swap3A_185 : vector<16xi32> to vector<16xi32>
        %swap3A_187 = vector.shape_cast %get3A_182 : vector<16xi32> to vector<16xi32>
        tpu.vector_store %arg12[%swap3A], %swap3A_187 {strides = array<i32>} : memref<128xi32, #tpu.memory_space<vmem>>, vector<16xi32>,
      }
      %scan3A_166 = arith.constant 8 : i32
      %dma_start3A_167 = arith.constant 0 : i32
      %dma_start3A_168 = arith.constant 0 : i32
      %dma_start3A_169 = tpu.memref_slice %arg14[%dma_start3A_167, %dma_start3A_168] : memref<10240x128xf32, #tpu.memory_space<vmem_shared>> -> memref<10240x128xf32, #tpu.memory_space<vmem_shared>>
      tpu.enqueue_indirect_dma source(%arg8 : memref<128x128xf32, #tpu.memory_space<vmem>>) target(%dma_start3A_169 : memref<10240x128xf32, #tpu.memory_space<vmem_shared>>) offsets(%arg12 : memref<128xi32, #tpu.memory_space<vmem>>) semaphore(%arg20 : memref<!tpu.dma_semaphore, #tpu.memory_space<semaphore_mem>>) {add = true}
      %lt3A_170 = arith.constant 12 : i32
      %lt3A_171 = arith.cmpi slt, %scan3A_115, %lt3A_170 : i32
      %convert_element_type3A_172 = arith.extui %lt3A_171 : i1 to i32
      %cond3A_173 = arith.constant 0 : i32
      %cond3A_174 = arith.cmpi ne, %convert_element_type3A_172, %cond3A_173 : i32
      scf.if %cond3A_174 {
        %dma_wait3A_175 = arith.constant 0 : i32
        %dma_wait3A_176 = arith.constant 0 : i32
        %dma_wait3A_177 = tpu.memref_slice %arg14[%dma_wait3A_175, %dma_wait3A_176] : memref<10240x128xf32, #tpu.memory_space<vmem_shared>> -> memref<10240x128xf32, #tpu.memory_space<vmem_shared>>
        tpu.wait_indirect_dma semaphore(%arg19 : memref<!tpu.dma_semaphore, #tpu.memory_space<semaphore_mem>>) src(%arg7 : memref<128x128xf32, #tpu.memory_space<vmem>>) dst(%dma_wait3A_177 : memref<10240x128xf32, #tpu.memory_space<vmem_shared>>)
        %add3A_178 = arith.addi %add3A_80, %mul3A_117 : i32
        %add3A_179 = arith.constant 2 : i32
        %add3A_180 = arith.addi %add3A_178, %add3A_179 : i32
        %mul3A_181 = arith.constant 128 : i32
        %mul3A_182 = arith.muli %add3A_180, %mul3A_181 : i32
        %dma_start3A_183 = arith.constant 0 : i32
        %dma_start3A_184 = tpu.memref_slice %arg5[%mul3A_182, %dma_start3A_183] : memref<320000x128xf32, #tpu.memory_space<hbm>> -> memref<128x128xf32, #tpu.memory_space<hbm>>
        %dma_start3A_185 = arith.constant 0 : i32
        %dma_start3A_186 = tpu.memref_slice %arg5[%mul3A_182, %dma_start3A_185] : memref<320000x128xf32, #tpu.memory_space<hbm>> -> memref<128x128xf32, #tpu.memory_space<hbm>>
        tpu.enqueue_dma source(%dma_start3A_186 : memref<128x128xf32, #tpu.memory_space<hbm>>) target(%arg7 : memref<128x128xf32, #tpu.memory_space<vmem>>) target_semaphore(%arg15 : memref<!tpu.dma_semaphore, #tpu.memory_space<semaphore_mem>>)
        %dma_wait3A_187 = arith.constant 0 : i32
        %dma_wait3A_188 = arith.constant 0 : i32
        %dma_wait3A_189 = tpu.memref_slice %arg14[%dma_wait3A_187, %dma_wait3A_188] : memref<10240x128xf32, #tpu.memory_space<vmem_shared>> -> memref<10240x128xf32, #tpu.memory_space<vmem_shared>>
        tpu.wait_indirect_dma semaphore(%arg20 : memref<!tpu.dma_semaphore, #tpu.memory_space<semaphore_mem>>) src(%arg8 : memref<128x128xf32, #tpu.memory_space<vmem>>) dst(%dma_wait3A_189 : memref<10240x128xf32, #tpu.memory_space<vmem_shared>>)
        %add3A_190 = arith.addi %add3A_80, %add3A_119 : i32
        %add3A_191 = arith.constant 2 : i32
        %add3A_192 = arith.addi %add3A_190, %add3A_191 : i32
        %mul3A_193 = arith.constant 128 : i32
        %mul3A_194 = arith.muli %add3A_192, %mul3A_193 : i32
        %dma_start3A_195 = arith.constant 0 : i32
        %dma_start3A_196 = tpu.memref_slice %arg5[%mul3A_194, %dma_start3A_195] : memref<320000x128xf32, #tpu.memory_space<hbm>> -> memref<128x128xf32, #tpu.memory_space<hbm>>
        %dma_start3A_197 = arith.constant 0 : i32
        %dma_start3A_198 = tpu.memref_slice %arg5[%mul3A_194, %dma_start3A_197] : memref<320000x128xf32, #tpu.memory_space<hbm>> -> memref<128x128xf32, #tpu.memory_space<hbm>>
        tpu.enqueue_dma source(%dma_start3A_198 : memref<128x128xf32, #tpu.memory_space<hbm>>) target(%arg8 : memref<128x128xf32, #tpu.memory_space<vmem>>) target_semaphore(%arg16 : memref<!tpu.dma_semaphore, #tpu.memory_space<semaphore_mem>>)
      } else {
      }
    }
    %scan3A_102 = arith.constant 13 : i32
    %dma_wait3A_103 = arith.constant 0 : i32
    %dma_wait3A_104 = arith.constant 0 : i32
    %dma_wait3A_105 = tpu.memref_slice %arg14[%dma_wait3A_103, %dma_wait3A_104] : memref<10240x128xf32, #tpu.memory_space<vmem_shared>> -> memref<10240x128xf32, #tpu.memory_space<vmem_shared>>
    tpu.wait_indirect_dma semaphore(%arg19 : memref<!tpu.dma_semaphore, #tpu.memory_space<semaphore_mem>>) src(%arg7 : memref<128x128xf32, #tpu.memory_space<vmem>>) dst(%dma_wait3A_105 : memref<10240x128xf32, #tpu.memory_space<vmem_shared>>)
    %dma_wait3A_106 = arith.constant 0 : i32
    %dma_wait3A_107 = arith.constant 0 : i32
    %dma_wait3A_108 = tpu.memref_slice %arg14[%dma_wait3A_106, %dma_wait3A_107] : memref<10240x128xf32, #tpu.memory_space<vmem_shared>> -> memref<10240x128xf32, #tpu.memory_space<vmem_shared>>
    tpu.wait_indirect_dma semaphore(%arg20 : memref<!tpu.dma_semaphore, #tpu.memory_space<semaphore_mem>>) src(%arg8 : memref<128x128xf32, #tpu.memory_space<vmem>>) dst(%dma_wait3A_108 : memref<10240x128xf32, #tpu.memory_space<vmem_shared>>)
    %lt3A = arith.constant 4 : i32
    %lt3A_109 = arith.cmpi slt, %add3A, %lt3A : i32
    %convert_element_type3A = arith.extui %lt3A_109 : i1 to i32
    %cond3A = arith.constant 0 : i32
    %cond3A_110 = arith.cmpi ne, %convert_element_type3A, %cond3A : i32
    scf.if %cond3A_110 {
      %add3A_115 = arith.constant 2496 : i32
      %add3A_116 = arith.addi %add3A_115, %add3A : i32
      %mul3A_117 = arith.constant 128 : i32
      %mul3A_118 = arith.muli %add3A_116, %mul3A_117 : i32
      "tpu.region"() ({
        %run_scoped3A = tpu.sem_alloc : memref<!tpu.dma_semaphore, #tpu.memory_space<semaphore_mem>>
        %dma_start3A_131 = tpu.memref_slice %arg3[%mul3A_118] : memref<320000xi32, #tpu.memory_space<hbm>> -> memref<128xi32, #tpu.memory_space<hbm>>
        %dma_start3A_132 = tpu.memref_slice %arg3[%mul3A_118] : memref<320000xi32, #tpu.memory_space<hbm>> -> memref<128xi32, #tpu.memory_space<hbm>>
        tpu.enqueue_dma source(%dma_start3A_132 : memref<128xi32, #tpu.memory_space<hbm>>) target(%arg13 : memref<128xi32, #tpu.memory_space<vmem>>) target_semaphore(%run_scoped3A : memref<!tpu.dma_semaphore, #tpu.memory_space<semaphore_mem>>)
        %dma_wait3A_133 = tpu.memref_slice %arg3[%mul3A_118] : memref<320000xi32, #tpu.memory_space<hbm>> -> memref<128xi32, #tpu.memory_space<hbm>>
        %dma_wait3A_134 = tpu.memref_slice %arg3[%mul3A_118] : memref<320000xi32, #tpu.memory_space<hbm>> -> memref<128xi32, #tpu.memory_space<hbm>>
        tpu.wait_dma2 semaphore(%run_scoped3A : memref<!tpu.dma_semaphore, #tpu.memory_space<semaphore_mem>>) src(%dma_wait3A_134 : memref<128xi32, #tpu.memory_space<hbm>>) dst(%arg13 : memref<128xi32, #tpu.memory_space<vmem>>)
        tpu.yield
      }) : () -> ()
      "tpu.region"() ({
        %run_scoped3A = tpu.sem_alloc : memref<!tpu.dma_semaphore, #tpu.memory_space<semaphore_mem>>
        %dma_start3A_131 = tpu.memref_slice %arg4[%mul3A_118] : memref<320000xi32, #tpu.memory_space<hbm>> -> memref<128xi32, #tpu.memory_space<hbm>>
        %dma_start3A_132 = tpu.memref_slice %arg4[%mul3A_118] : memref<320000xi32, #tpu.memory_space<hbm>> -> memref<128xi32, #tpu.memory_space<hbm>>
        tpu.enqueue_dma source(%dma_start3A_132 : memref<128xi32, #tpu.memory_space<hbm>>) target(%arg11 : memref<128xi32, #tpu.memory_space<vmem>>) target_semaphore(%run_scoped3A : memref<!tpu.dma_semaphore, #tpu.memory_space<semaphore_mem>>)
        %dma_wait3A_133 = tpu.memref_slice %arg4[%mul3A_118] : memref<320000xi32, #tpu.memory_space<hbm>> -> memref<128xi32, #tpu.memory_space<hbm>>
        %dma_wait3A_134 = tpu.memref_slice %arg4[%mul3A_118] : memref<320000xi32, #tpu.memory_space<hbm>> -> memref<128xi32, #tpu.memory_space<hbm>>
        tpu.wait_dma2 semaphore(%run_scoped3A : memref<!tpu.dma_semaphore, #tpu.memory_space<semaphore_mem>>) src(%dma_wait3A_134 : memref<128xi32, #tpu.memory_space<hbm>>) dst(%arg11 : memref<128xi32, #tpu.memory_space<vmem>>)
        tpu.yield
      }) : () -> ()
      "tpu.region"() ({
        %run_scoped3A = tpu.sem_alloc : memref<!tpu.dma_semaphore, #tpu.memory_space<semaphore_mem>>
        %dma_start3A_131 = arith.constant 0 : i32
        %dma_start3A_132 = tpu.memref_slice %arg5[%mul3A_118, %dma_start3A_131] : memref<320000x128xf32, #tpu.memory_space<hbm>> -> memref<128x128xf32, #tpu.memory_space<hbm>>
        %dma_start3A_133 = arith.constant 0 : i32
        %dma_start3A_134 = tpu.memref_slice %arg5[%mul3A_118, %dma_start3A_133] : memref<320000x128xf32, #tpu.memory_space<hbm>> -> memref<128x128xf32, #tpu.memory_space<hbm>>
        tpu.enqueue_dma source(%dma_start3A_134 : memref<128x128xf32, #tpu.memory_space<hbm>>) target(%arg7 : memref<128x128xf32, #tpu.memory_space<vmem>>) target_semaphore(%run_scoped3A : memref<!tpu.dma_semaphore, #tpu.memory_space<semaphore_mem>>)
        %dma_wait3A_135 = arith.constant 0 : i32
        %dma_wait3A_136 = tpu.memref_slice %arg5[%mul3A_118, %dma_wait3A_135] : memref<320000x128xf32, #tpu.memory_space<hbm>> -> memref<128x128xf32, #tpu.memory_space<hbm>>
        %dma_wait3A_137 = arith.constant 0 : i32
        %dma_wait3A_138 = tpu.memref_slice %arg5[%mul3A_118, %dma_wait3A_137] : memref<320000x128xf32, #tpu.memory_space<hbm>> -> memref<128x128xf32, #tpu.memory_space<hbm>>
        tpu.wait_dma2 semaphore(%run_scoped3A : memref<!tpu.dma_semaphore, #tpu.memory_space<semaphore_mem>>) src(%dma_wait3A_138 : memref<128x128xf32, #tpu.memory_space<hbm>>) dst(%arg7 : memref<128x128xf32, #tpu.memory_space<vmem>>)
        tpu.yield
      }) : () -> ()
      %dma_start3A_119 = arith.constant 0 : i32
      %dma_start3A_120 = arith.constant 0 : i32
      %dma_start3A_121 = tpu.memref_slice %arg2[%dma_start3A_119, %dma_start3A_120] : memref<10000x128xf32, #tpu.memory_space<hbm>> -> memref<10000x128xf32, #tpu.memory_space<hbm>>
      tpu.enqueue_indirect_dma source(%dma_start3A_121 : memref<10000x128xf32, #tpu.memory_space<hbm>>) target(%arg7 : memref<128x128xf32, #tpu.memory_space<vmem>>) offsets(%arg13 : memref<128xi32, #tpu.memory_space<vmem>>) semaphore(%arg17 : memref<!tpu.dma_semaphore, #tpu.memory_space<semaphore_mem>>) {add = true}
      %dma_wait3A_122 = arith.constant 0 : i32
      %dma_wait3A_123 = arith.constant 0 : i32
      %dma_wait3A_124 = tpu.memref_slice %arg2[%dma_wait3A_122, %dma_wait3A_123] : memref<10000x128xf32, #tpu.memory_space<hbm>> -> memref<10000x128xf32, #tpu.memory_space<hbm>>
      tpu.wait_indirect_dma semaphore(%arg17 : memref<!tpu.dma_semaphore, #tpu.memory_space<semaphore_mem>>) src(%dma_wait3A_124 : memref<10000x128xf32, #tpu.memory_space<hbm>>) dst(%arg7 : memref<128x128xf32, #tpu.memory_space<vmem>>)
      %scan3A_125 = arith.constant 0 : i32
      %scan3A_126 = arith.constant 0 : i32
      %scan3A_127 = arith.constant 128 : i32
      %scan3A_128 = arith.addi %scan3A_126, %scan3A_127 : i32
      %scan3A_129 = arith.constant 1 : i32
      scf.for %scan3A_131 = %scan3A_126 to %scan3A_128 step %scan3A_129  : i32 {
        %get3A = arith.index_cast %scan3A_131 : i32 to index
        %get3A_132 = arith.constant 0 : index
        %get3A_133 = tpu.vector_load %arg7[%get3A, %get3A_132] {strides = array<i32>} : memref<128x128xf32, #tpu.memory_space<vmem>>, vector<1x16xf32>,
        %get3A_134 = vector.shape_cast %get3A_133 : vector<1x16xf32> to vector<16xf32>
        %max3A = arith.constant 0.000000e+00 : f32
        %max3A_135 = vector.broadcast %max3A : f32 to vector<16xf32>
        %max3A_136 = arith.maximumf %get3A_134, %max3A_135 : vector<16xf32>
        %swap3A = arith.index_cast %scan3A_131 : i32 to index
        %swap3A_137 = arith.constant 0 : index
        %swap3A_138 = tpu.vector_load %arg7[%swap3A, %swap3A_137] {strides = array<i32>} : memref<128x128xf32, #tpu.memory_space<vmem>>, vector<1x16xf32>,
        %swap3A_139 = vector.shape_cast %swap3A_138 : vector<1x16xf32> to vector<16xf32>
        %swap3A_140 = vector.shape_cast %max3A_136 : vector<16xf32> to vector<1x16xf32>
        tpu.vector_store %arg7[%swap3A, %swap3A_137], %swap3A_140 {strides = array<i32>} : memref<128x128xf32, #tpu.memory_space<vmem>>, vector<1x16xf32>,
        %get3A_141 = arith.index_cast %scan3A_131 : i32 to index
        %get3A_142 = arith.constant 16 : index
        %get3A_143 = tpu.vector_load %arg7[%get3A_141, %get3A_142] {strides = array<i32>} : memref<128x128xf32, #tpu.memory_space<vmem>>, vector<1x16xf32>,
        %get3A_144 = vector.shape_cast %get3A_143 : vector<1x16xf32> to vector<16xf32>
        %max3A_145 = arith.constant 0.000000e+00 : f32
        %max3A_146 = vector.broadcast %max3A_145 : f32 to vector<16xf32>
        %max3A_147 = arith.maximumf %get3A_144, %max3A_146 : vector<16xf32>
        %swap3A_148 = arith.index_cast %scan3A_131 : i32 to index
        %swap3A_149 = arith.constant 16 : index
        %swap3A_150 = tpu.vector_load %arg7[%swap3A_148, %swap3A_149] {strides = array<i32>} : memref<128x128xf32, #tpu.memory_space<vmem>>, vector<1x16xf32>,
        %swap3A_151 = vector.shape_cast %swap3A_150 : vector<1x16xf32> to vector<16xf32>
        %swap3A_152 = vector.shape_cast %max3A_147 : vector<16xf32> to vector<1x16xf32>
        tpu.vector_store %arg7[%swap3A_148, %swap3A_149], %swap3A_152 {strides = array<i32>} : memref<128x128xf32, #tpu.memory_space<vmem>>, vector<1x16xf32>,
        %get3A_153 = arith.index_cast %scan3A_131 : i32 to index
        %get3A_154 = arith.constant 32 : index
        %get3A_155 = tpu.vector_load %arg7[%get3A_153, %get3A_154] {strides = array<i32>} : memref<128x128xf32, #tpu.memory_space<vmem>>, vector<1x16xf32>,
        %get3A_156 = vector.shape_cast %get3A_155 : vector<1x16xf32> to vector<16xf32>
        %max3A_157 = arith.constant 0.000000e+00 : f32
        %max3A_158 = vector.broadcast %max3A_157 : f32 to vector<16xf32>
        %max3A_159 = arith.maximumf %get3A_156, %max3A_158 : vector<16xf32>
        %swap3A_160 = arith.index_cast %scan3A_131 : i32 to index
        %swap3A_161 = arith.constant 32 : index
        %swap3A_162 = tpu.vector_load %arg7[%swap3A_160, %swap3A_161] {strides = array<i32>} : memref<128x128xf32, #tpu.memory_space<vmem>>, vector<1x16xf32>,
        %swap3A_163 = vector.shape_cast %swap3A_162 : vector<1x16xf32> to vector<16xf32>
        %swap3A_164 = vector.shape_cast %max3A_159 : vector<16xf32> to vector<1x16xf32>
        tpu.vector_store %arg7[%swap3A_160, %swap3A_161], %swap3A_164 {strides = array<i32>} : memref<128x128xf32, #tpu.memory_space<vmem>>, vector<1x16xf32>,
        %get3A_165 = arith.index_cast %scan3A_131 : i32 to index
        %get3A_166 = arith.constant 48 : index
        %get3A_167 = tpu.vector_load %arg7[%get3A_165, %get3A_166] {strides = array<i32>} : memref<128x128xf32, #tpu.memory_space<vmem>>, vector<1x16xf32>,
        %get3A_168 = vector.shape_cast %get3A_167 : vector<1x16xf32> to vector<16xf32>
        %max3A_169 = arith.constant 0.000000e+00 : f32
        %max3A_170 = vector.broadcast %max3A_169 : f32 to vector<16xf32>
        %max3A_171 = arith.maximumf %get3A_168, %max3A_170 : vector<16xf32>
        %swap3A_172 = arith.index_cast %scan3A_131 : i32 to index
        %swap3A_173 = arith.constant 48 : index
        %swap3A_174 = tpu.vector_load %arg7[%swap3A_172, %swap3A_173] {strides = array<i32>} : memref<128x128xf32, #tpu.memory_space<vmem>>, vector<1x16xf32>,
        %swap3A_175 = vector.shape_cast %swap3A_174 : vector<1x16xf32> to vector<16xf32>
        %swap3A_176 = vector.shape_cast %max3A_171 : vector<16xf32> to vector<1x16xf32>
        tpu.vector_store %arg7[%swap3A_172, %swap3A_173], %swap3A_176 {strides = array<i32>} : memref<128x128xf32, #tpu.memory_space<vmem>>, vector<1x16xf32>,
        %get3A_177 = arith.index_cast %scan3A_131 : i32 to index
        %get3A_178 = arith.constant 64 : index
        %get3A_179 = tpu.vector_load %arg7[%get3A_177, %get3A_178] {strides = array<i32>} : memref<128x128xf32, #tpu.memory_space<vmem>>, vector<1x16xf32>,
        %get3A_180 = vector.shape_cast %get3A_179 : vector<1x16xf32> to vector<16xf32>
        %max3A_181 = arith.constant 0.000000e+00 : f32
        %max3A_182 = vector.broadcast %max3A_181 : f32 to vector<16xf32>
        %max3A_183 = arith.maximumf %get3A_180, %max3A_182 : vector<16xf32>
        %swap3A_184 = arith.index_cast %scan3A_131 : i32 to index
        %swap3A_185 = arith.constant 64 : index
        %swap3A_186 = tpu.vector_load %arg7[%swap3A_184, %swap3A_185] {strides = array<i32>} : memref<128x128xf32, #tpu.memory_space<vmem>>, vector<1x16xf32>,
        %swap3A_187 = vector.shape_cast %swap3A_186 : vector<1x16xf32> to vector<16xf32>
        %swap3A_188 = vector.shape_cast %max3A_183 : vector<16xf32> to vector<1x16xf32>
        tpu.vector_store %arg7[%swap3A_184, %swap3A_185], %swap3A_188 {strides = array<i32>} : memref<128x128xf32, #tpu.memory_space<vmem>>, vector<1x16xf32>,
        %get3A_189 = arith.index_cast %scan3A_131 : i32 to index
        %get3A_190 = arith.constant 80 : index
        %get3A_191 = tpu.vector_load %arg7[%get3A_189, %get3A_190] {strides = array<i32>} : memref<128x128xf32, #tpu.memory_space<vmem>>, vector<1x16xf32>,
        %get3A_192 = vector.shape_cast %get3A_191 : vector<1x16xf32> to vector<16xf32>
        %max3A_193 = arith.constant 0.000000e+00 : f32
        %max3A_194 = vector.broadcast %max3A_193 : f32 to vector<16xf32>
        %max3A_195 = arith.maximumf %get3A_192, %max3A_194 : vector<16xf32>
        %swap3A_196 = arith.index_cast %scan3A_131 : i32 to index
        %swap3A_197 = arith.constant 80 : index
        %swap3A_198 = tpu.vector_load %arg7[%swap3A_196, %swap3A_197] {strides = array<i32>} : memref<128x128xf32, #tpu.memory_space<vmem>>, vector<1x16xf32>,
        %swap3A_199 = vector.shape_cast %swap3A_198 : vector<1x16xf32> to vector<16xf32>
        %swap3A_200 = vector.shape_cast %max3A_195 : vector<16xf32> to vector<1x16xf32>
        tpu.vector_store %arg7[%swap3A_196, %swap3A_197], %swap3A_200 {strides = array<i32>} : memref<128x128xf32, #tpu.memory_space<vmem>>, vector<1x16xf32>,
        %get3A_201 = arith.index_cast %scan3A_131 : i32 to index
        %get3A_202 = arith.constant 96 : index
        %get3A_203 = tpu.vector_load %arg7[%get3A_201, %get3A_202] {strides = array<i32>} : memref<128x128xf32, #tpu.memory_space<vmem>>, vector<1x16xf32>,
        %get3A_204 = vector.shape_cast %get3A_203 : vector<1x16xf32> to vector<16xf32>
        %max3A_205 = arith.constant 0.000000e+00 : f32
        %max3A_206 = vector.broadcast %max3A_205 : f32 to vector<16xf32>
        %max3A_207 = arith.maximumf %get3A_204, %max3A_206 : vector<16xf32>
        %swap3A_208 = arith.index_cast %scan3A_131 : i32 to index
        %swap3A_209 = arith.constant 96 : index
        %swap3A_210 = tpu.vector_load %arg7[%swap3A_208, %swap3A_209] {strides = array<i32>} : memref<128x128xf32, #tpu.memory_space<vmem>>, vector<1x16xf32>,
        %swap3A_211 = vector.shape_cast %swap3A_210 : vector<1x16xf32> to vector<16xf32>
        %swap3A_212 = vector.shape_cast %max3A_207 : vector<16xf32> to vector<1x16xf32>
        tpu.vector_store %arg7[%swap3A_208, %swap3A_209], %swap3A_212 {strides = array<i32>} : memref<128x128xf32, #tpu.memory_space<vmem>>, vector<1x16xf32>,
        %get3A_213 = arith.index_cast %scan3A_131 : i32 to index
        %get3A_214 = arith.constant 112 : index
        %get3A_215 = tpu.vector_load %arg7[%get3A_213, %get3A_214] {strides = array<i32>} : memref<128x128xf32, #tpu.memory_space<vmem>>, vector<1x16xf32>,
        %get3A_216 = vector.shape_cast %get3A_215 : vector<1x16xf32> to vector<16xf32>
        %max3A_217 = arith.constant 0.000000e+00 : f32
        %max3A_218 = vector.broadcast %max3A_217 : f32 to vector<16xf32>
        %max3A_219 = arith.maximumf %get3A_216, %max3A_218 : vector<16xf32>
        %swap3A_220 = arith.index_cast %scan3A_131 : i32 to index
        %swap3A_221 = arith.constant 112 : index
        %swap3A_222 = tpu.vector_load %arg7[%swap3A_220, %swap3A_221] {strides = array<i32>} : memref<128x128xf32, #tpu.memory_space<vmem>>, vector<1x16xf32>,
        %swap3A_223 = vector.shape_cast %swap3A_222 : vector<1x16xf32> to vector<16xf32>
        %swap3A_224 = vector.shape_cast %max3A_219 : vector<16xf32> to vector<1x16xf32>
        tpu.vector_store %arg7[%swap3A_220, %swap3A_221], %swap3A_224 {strides = array<i32>} : memref<128x128xf32, #tpu.memory_space<vmem>>, vector<1x16xf32>,
      }
      %scan3A_130 = arith.constant 128 : i32
      "tpu.region"() ({
        %run_scoped3A = tpu.sem_alloc : memref<!tpu.dma_semaphore, #tpu.memory_space<semaphore_mem>>
        %dma_start3A_131 = arith.constant 0 : i32
        %dma_start3A_132 = arith.constant 0 : i32
        %dma_start3A_133 = tpu.memref_slice %arg14[%dma_start3A_131, %dma_start3A_132] : memref<10240x128xf32, #tpu.memory_space<vmem_shared>> -> memref<10240x128xf32, #tpu.memory_space<vmem_shared>>
        tpu.enqueue_indirect_dma source(%arg7 : memref<128x128xf32, #tpu.memory_space<vmem>>) target(%dma_start3A_133 : memref<10240x128xf32, #tpu.memory_space<vmem_shared>>) offsets(%arg11 : memref<128xi32, #tpu.memory_space<vmem>>) semaphore(%run_scoped3A : memref<!tpu.dma_semaphore, #tpu.memory_space<semaphore_mem>>) {add = true}
        %dma_wait3A_134 = arith.constant 0 : i32
        %dma_wait3A_135 = arith.constant 0 : i32
        %dma_wait3A_136 = tpu.memref_slice %arg14[%dma_wait3A_134, %dma_wait3A_135] : memref<10240x128xf32, #tpu.memory_space<vmem_shared>> -> memref<10240x128xf32, #tpu.memory_space<vmem_shared>>
        tpu.wait_indirect_dma semaphore(%run_scoped3A : memref<!tpu.dma_semaphore, #tpu.memory_space<semaphore_mem>>) src(%arg7 : memref<128x128xf32, #tpu.memory_space<vmem>>) dst(%dma_wait3A_136 : memref<10240x128xf32, #tpu.memory_space<vmem_shared>>)
        tpu.yield
      }) : () -> ()
    } else {
    }
    %barrier3A_111 = arith.constant 0 : index
    tpu.barrier barrier_id(%barrier3A_111)
    %mul3A_112 = arith.constant 10240 : i32
    %mul3A_113 = arith.muli %arg0, %mul3A_112 : i32
    %add3A_114 = arith.addi %mul3A_113, %mul3A_8 : i32
    "tpu.region"() ({
      %run_scoped3A = tpu.sem_alloc : memref<!tpu.dma_semaphore, #tpu.memory_space<semaphore_mem>>
      %dma_start3A_115 = arith.constant 0 : i32
      %dma_start3A_116 = tpu.memref_slice %arg6[%add3A_114, %dma_start3A_115] : memref<20480x128xf32, #tpu.memory_space<hbm>> -> memref<640x128xf32, #tpu.memory_space<hbm>>
      %dma_start3A_117 = arith.constant 0 : i32
      %dma_start3A_118 = tpu.memref_slice %arg14[%mul3A_8, %dma_start3A_117] : memref<10240x128xf32, #tpu.memory_space<vmem_shared>> -> memref<640x128xf32, #tpu.memory_space<vmem_shared>>
      tpu.enqueue_dma source(%dma_start3A_118 : memref<640x128xf32, #tpu.memory_space<vmem_shared>>) target(%dma_start3A_116 : memref<640x128xf32, #tpu.memory_space<hbm>>) target_semaphore(%run_scoped3A : memref<!tpu.dma_semaphore, #tpu.memory_space<semaphore_mem>>)
      %dma_wait3A_119 = arith.constant 0 : i32
      %dma_wait3A_120 = tpu.memref_slice %arg6[%add3A_114, %dma_wait3A_119] : memref<20480x128xf32, #tpu.memory_space<hbm>> -> memref<640x128xf32, #tpu.memory_space<hbm>>
      %dma_wait3A_121 = arith.constant 0 : i32
      %dma_wait3A_122 = tpu.memref_slice %arg14[%mul3A_8, %dma_wait3A_121] : memref<10240x128xf32, #tpu.memory_space<vmem_shared>> -> memref<640x128xf32, #tpu.memory_space<vmem_shared>>
      tpu.wait_dma2 semaphore(%run_scoped3A : memref<!tpu.dma_semaphore, #tpu.memory_space<semaphore_mem>>) src(%dma_wait3A_122 : memref<640x128xf32, #tpu.memory_space<vmem_shared>>) dst(%dma_wait3A_120 : memref<640x128xf32, #tpu.memory_space<hbm>>)
      tpu.yield
    }) : () -> ()
    return
  }
}

module attributes {stable_mosaic.version = 14 : i64} {
  func.func @_tc_body(%arg0: i32, %arg1: memref<2000x128xf32, #tpu.memory_space<vmem>>, %arg2: memref<2000x128xf32, #tpu.memory_space<vmem>>, %arg3: memref<2000x128xf32, #tpu.memory_space<vmem>>, %arg4: memref<128x128xf32, #tpu.memory_space<vmem>>, %arg5: memref<1x128xf32, #tpu.memory_space<vmem>>, %arg6: memref<128x128xf32, #tpu.memory_space<vmem>>, %arg7: memref<1x128xf32, #tpu.memory_space<vmem>>, %arg8: memref<1x128xf32, #tpu.memory_space<vmem>>, %arg9: memref<1x128xf32, #tpu.memory_space<vmem>>, %arg10: memref<2000x128xf32, #tpu.memory_space<vmem>>) attributes {dimension_semantics = [#tpu.dimension_semantics<arbitrary>], iteration_bounds = array<i64: 5>, scalar_prefetch = 0 : i64, scratch_operands = 0 : i64, tpu.core_type = #tpu.core_type<tc>, window_params = [{transform_indices = @transform_0, window_bounds = array<i64: 2000, 128>}, {transform_indices = @transform_1, window_bounds = array<i64: 2000, 128>}, {transform_indices = @transform_2, window_bounds = array<i64: 2000, 128>}, {pipeline_mode = #tpu.pipeline_mode<synchronous>, transform_indices = @transform_3, window_bounds = array<i64: 128, 128>}, {pipeline_mode = #tpu.pipeline_mode<synchronous>, transform_indices = @transform_4, window_bounds = array<i64: 1, 128>}, {pipeline_mode = #tpu.pipeline_mode<synchronous>, transform_indices = @transform_5, window_bounds = array<i64: 128, 128>}, {pipeline_mode = #tpu.pipeline_mode<synchronous>, transform_indices = @transform_6, window_bounds = array<i64: 1, 128>}, {pipeline_mode = #tpu.pipeline_mode<synchronous>, transform_indices = @transform_7, window_bounds = array<i64: 1, 128>}, {pipeline_mode = #tpu.pipeline_mode<synchronous>, transform_indices = @transform_8, window_bounds = array<i64: 1, 128>}, {transform_indices = @transform_9, window_bounds = array<i64: 2000, 128>}]} {
    %get3A = arith.constant 0 : index
    %get3A_0 = arith.constant 0 : index
    %get3A_1 = vector.load %arg1[%get3A, %get3A_0] : memref<2000x128xf32, #tpu.memory_space<vmem>>, vector<2000x128xf32>
    %get3A_2 = arith.constant 0 : index
    %get3A_3 = arith.constant 0 : index
    %get3A_4 = vector.load %arg2[%get3A_2, %get3A_3] : memref<2000x128xf32, #tpu.memory_space<vmem>>, vector<2000x128xf32>
    %add3A = arith.addf %get3A_1, %get3A_4 : vector<2000x128xf32>
    %get3A_5 = arith.constant 0 : index
    %get3A_6 = arith.constant 0 : index
    %get3A_7 = vector.load %arg3[%get3A_5, %get3A_6] : memref<2000x128xf32, #tpu.memory_space<vmem>>, vector<2000x128xf32>
    %add3A_8 = arith.addf %add3A, %get3A_7 : vector<2000x128xf32>
    %get3A_9 = arith.constant 0 : index
    %get3A_10 = arith.constant 0 : index
    %get3A_11 = vector.load %arg4[%get3A_9, %get3A_10] : memref<128x128xf32, #tpu.memory_space<vmem>>, vector<128x128xf32>
    %dot_general3A = arith.constant dense<0.000000e+00> : vector<2000x128xf32>
    %dot_general3A_12 = tpu.matmul %add3A_8, %get3A_11, %dot_general3A {dimension_numbers = #tpu.dot_dimension_numbers<[1], [0], [0], [1], [0, 0, 1, 1], [], []>, transpose_lhs_hint = false} : vector<2000x128xf32>, vector<128x128xf32>, vector<2000x128xf32> -> vector<2000x128xf32>
    %get3A_13 = arith.constant 0 : index
    %get3A_14 = arith.constant 0 : index
    %get3A_15 = vector.load %arg5[%get3A_13, %get3A_14] : memref<1x128xf32, #tpu.memory_space<vmem>>, vector<1x128xf32>
    %add3A_16 = vector.broadcast %get3A_15 : vector<1x128xf32> to vector<2000x128xf32>
    %add3A_17 = arith.addf %dot_general3A_12, %add3A_16 : vector<2000x128xf32>
    %max3A = arith.constant 0.000000e+00 : f32
    %max3A_18 = vector.broadcast %max3A : f32 to vector<2000x128xf32>
    %max3A_19 = arith.maximumf %add3A_17, %max3A_18 : vector<2000x128xf32>
    %get3A_20 = arith.constant 0 : index
    %get3A_21 = arith.constant 0 : index
    %get3A_22 = vector.load %arg6[%get3A_20, %get3A_21] : memref<128x128xf32, #tpu.memory_space<vmem>>, vector<128x128xf32>
    %dot_general3A_23 = arith.constant dense<0.000000e+00> : vector<2000x128xf32>
    %dot_general3A_24 = tpu.matmul %max3A_19, %get3A_22, %dot_general3A_23 {dimension_numbers = #tpu.dot_dimension_numbers<[1], [0], [0], [1], [0, 0, 1, 1], [], []>, transpose_lhs_hint = false} : vector<2000x128xf32>, vector<128x128xf32>, vector<2000x128xf32> -> vector<2000x128xf32>
    %get3A_25 = arith.constant 0 : index
    %get3A_26 = arith.constant 0 : index
    %get3A_27 = vector.load %arg7[%get3A_25, %get3A_26] : memref<1x128xf32, #tpu.memory_space<vmem>>, vector<1x128xf32>
    %add3A_28 = vector.broadcast %get3A_27 : vector<1x128xf32> to vector<2000x128xf32>
    %add3A_29 = arith.addf %dot_general3A_24, %add3A_28 : vector<2000x128xf32>
    %max3A_30 = arith.constant 0.000000e+00 : f32
    %max3A_31 = vector.broadcast %max3A_30 : f32 to vector<2000x128xf32>
    %max3A_32 = arith.maximumf %add3A_29, %max3A_31 : vector<2000x128xf32>
    %add3A_33 = arith.addf %get3A_1, %max3A_32 : vector<2000x128xf32>
    %reduce_sum3A = arith.constant dense<0.000000e+00> : vector<2000xf32>
    %reduce_sum3A_34 = vector.multi_reduction <add>, %add3A_33, %reduce_sum3A [1] : vector<2000x128xf32> to vector<2000xf32>
    %broadcast_in_dim3A = vector.shape_cast %reduce_sum3A_34 : vector<2000xf32> to vector<2000x1xf32>
    %div3A = arith.constant 1.280000e+02 : f32
    %div3A_35 = vector.broadcast %div3A : f32 to vector<2000x1xf32>
    %div3A_36 = arith.divf %broadcast_in_dim3A, %div3A_35 : vector<2000x1xf32>
    %sub3A = vector.broadcast %div3A_36 : vector<2000x1xf32> to vector<2000x128xf32>
    %sub3A_37 = arith.subf %add3A_33, %sub3A : vector<2000x128xf32>
    %mul3A = arith.mulf %sub3A_37, %sub3A_37 : vector<2000x128xf32>
    %reduce_sum3A_38 = arith.constant dense<0.000000e+00> : vector<2000xf32>
    %reduce_sum3A_39 = vector.multi_reduction <add>, %mul3A, %reduce_sum3A_38 [1] : vector<2000x128xf32> to vector<2000xf32>
    %broadcast_in_dim3A_40 = vector.shape_cast %reduce_sum3A_39 : vector<2000xf32> to vector<2000x1xf32>
    %div3A_41 = arith.constant 1.280000e+02 : f32
    %div3A_42 = vector.broadcast %div3A_41 : f32 to vector<2000x1xf32>
    %div3A_43 = arith.divf %broadcast_in_dim3A_40, %div3A_42 : vector<2000x1xf32>
    %add3A_44 = arith.constant 9.99999974E-6 : f32
    %add3A_45 = vector.broadcast %add3A_44 : f32 to vector<2000x1xf32>
    %add3A_46 = arith.addf %div3A_43, %add3A_45 : vector<2000x1xf32>
    %rsqrt3A = math.rsqrt %add3A_46 : vector<2000x1xf32>
    %mul3A_47 = vector.broadcast %rsqrt3A : vector<2000x1xf32> to vector<2000x128xf32>
    %mul3A_48 = arith.mulf %sub3A_37, %mul3A_47 : vector<2000x128xf32>
    %get3A_49 = arith.constant 0 : index
    %get3A_50 = arith.constant 0 : index
    %get3A_51 = vector.load %arg8[%get3A_49, %get3A_50] : memref<1x128xf32, #tpu.memory_space<vmem>>, vector<1x128xf32>
    %mul3A_52 = vector.broadcast %get3A_51 : vector<1x128xf32> to vector<2000x128xf32>
    %mul3A_53 = arith.mulf %mul3A_48, %mul3A_52 : vector<2000x128xf32>
    %get3A_54 = arith.constant 0 : index
    %get3A_55 = arith.constant 0 : index
    %get3A_56 = vector.load %arg9[%get3A_54, %get3A_55] : memref<1x128xf32, #tpu.memory_space<vmem>>, vector<1x128xf32>
    %add3A_57 = vector.broadcast %get3A_56 : vector<1x128xf32> to vector<2000x128xf32>
    %add3A_58 = arith.addf %mul3A_53, %add3A_57 : vector<2000x128xf32>
    %swap3A = arith.constant 0 : index
    %swap3A_59 = arith.constant 0 : index
    %swap3A_60 = vector.load %arg10[%swap3A, %swap3A_59] : memref<2000x128xf32, #tpu.memory_space<vmem>>, vector<2000x128xf32>
    tpu.vector_store %arg10[%swap3A, %swap3A_59], %add3A_58 {strides = array<i32>} : memref<2000x128xf32, #tpu.memory_space<vmem>>, vector<2000x128xf32>,
    return
  }
  func.func @transform_0(%arg0: i32) -> (i32, i32) {
    %c0_i32 = arith.constant 0 : i32
    %c0_i32_0 = arith.constant 0 : i32
    return %arg0, %c0_i32 : i32, i32
  }
  func.func @transform_1(%arg0: i32) -> (i32, i32) {
    %c0_i32 = arith.constant 0 : i32
    %c0_i32_0 = arith.constant 0 : i32
    return %arg0, %c0_i32 : i32, i32
  }
  func.func @transform_2(%arg0: i32) -> (i32, i32) {
    %c0_i32 = arith.constant 0 : i32
    %c0_i32_0 = arith.constant 0 : i32
    return %arg0, %c0_i32 : i32, i32
  }
  func.func @transform_3(%arg0: i32) -> (i32, i32) {
    %c0_i32 = arith.constant 0 : i32
    %c0_i32_0 = arith.constant 0 : i32
    %c0_i32_1 = arith.constant 0 : i32
    return %c0_i32, %c0_i32_0 : i32, i32
  }
  func.func @transform_4(%arg0: i32) -> (i32, i32) {
    %c0_i32 = arith.constant 0 : i32
    %c0_i32_0 = arith.constant 0 : i32
    %c0_i32_1 = arith.constant 0 : i32
    return %c0_i32, %c0_i32_0 : i32, i32
  }
  func.func @transform_5(%arg0: i32) -> (i32, i32) {
    %c0_i32 = arith.constant 0 : i32
    %c0_i32_0 = arith.constant 0 : i32
    %c0_i32_1 = arith.constant 0 : i32
    return %c0_i32, %c0_i32_0 : i32, i32
  }
  func.func @transform_6(%arg0: i32) -> (i32, i32) {
    %c0_i32 = arith.constant 0 : i32
    %c0_i32_0 = arith.constant 0 : i32
    %c0_i32_1 = arith.constant 0 : i32
    return %c0_i32, %c0_i32_0 : i32, i32
  }
  func.func @transform_7(%arg0: i32) -> (i32, i32) {
    %c0_i32 = arith.constant 0 : i32
    %c0_i32_0 = arith.constant 0 : i32
    %c0_i32_1 = arith.constant 0 : i32
    return %c0_i32, %c0_i32_0 : i32, i32
  }
  func.func @transform_8(%arg0: i32) -> (i32, i32) {
    %c0_i32 = arith.constant 0 : i32
    %c0_i32_0 = arith.constant 0 : i32
    %c0_i32_1 = arith.constant 0 : i32
    return %c0_i32, %c0_i32_0 : i32, i32
  }
  func.func @transform_9(%arg0: i32) -> (i32, i32) {
    %c0_i32 = arith.constant 0 : i32
    %c0_i32_0 = arith.constant 0 : i32
    return %arg0, %c0_i32 : i32, i32
  }
}

</mosaic_0001>

<sc_bundles>
// kernel: kernel.4.cloned.1.call-start
scs
__scs_entry_jumppad:
0x0: {  	(pc) =	sbr.rel $0x88, $3  }
0x1: {  	(tag) =	ssettag $0x0;
	lr =	simm.s32 $0x1  }
0x2: {  	[smem:$0x3F98] =	sst lr;
	_ =	strace $0xD0000000  }
0x3: {  	_ = 	snop  }
0x4: {  	_ = 	snop  }
0x5: {  	_ = 	snop  }
0x6: {  	_ = 	snop  }
0x7: {  	_ = 	snop  }
__scs_overlays_trampoline_lowered:
0x8: {  	[smem:$0x3FA7] =	sst s0  }
0x9: {  	[smem:$0x3FA8] =	sst s1  }
0xa: {  	[smem:$0x3FA9] =	sst s2  }
0xb: {  	[smem:$0x3FAA] =	sst s3  }
0xc: {  	[smem:$0x3FAB] =	sst s4  }
0xd: {  	[smem:$0x3FAC] =	sst s5  }
0xe: {  	[smem:$0x3FAD] =	sst s6  }
0xf: {  	[smem:$0x3FAE] =	sst s7  }
0x10: {  	[smem:$0x3FAF] =	sst s8  }
0x11: {  	[smem:$0x3FB0] =	sst s9;
	s0 =	simm.s32 @!p0 $0x0  }
0x12: {  	s1 =	sld [smem:$0x3F96];
	s0 =	simm.s32 @p0 $0x1  }
0x13: {  	[smem:$0x3FB1] =	sst s0;
	s0 =	simm.s32 @!p1 $0x0  }
0x14: {  	s2 =	sld [smem:$0x3F95];
	s0 =	simm.s32 @p1 $0x1  }
0x15: {  	[smem:$0x3FB2] =	sst s0;
	s0 =	simm.s32 @!p2 $0x0  }
0x16: {  	s3 =	sld [smem:$0x3FDB];
	s0 =	simm.s32 @p2 $0x1  }
0x17: {  	s4 =	simm.s32 $0x1BF5;
	[smem:$0x3FB4] =	sst s0  }
0x18: {  	s0 =	sld [smem:$0x3F97];
	_ =	swait.ge [sflag:s4], $0x0  }
0x19: {  	s7 =	sld [smem:$0x3F98]  }
0x1a: {  	s8 =	sadd.s32 $0xFFFFE003, lr  }
0x1b: {  	s9 =	sadd.s32 $0xFFFFFEF7, lr;
	s5 =	simm.s32 $0xFFFFFFFF;
	p2 =	slt.u32 s8, $0xFFFFF086  }
0x1c: {  	p1 =	slt.u32 s9, $0xF7A;
	s5 =	simm.s32 @!p2 $0x0  }
0x1d: {  	s5 =	simm.s32 @p1 $0x1;
	p0 =	seq.s32 s7, s2  }
0x1e: {  	s7 =	smul.u32 @!p0 $0xF7A, s2;
	p2 =	seq.s32 @!p0 s5, $0x0  }
0x1f: {  	s9 =	smul.u32 $0xF7A, s1;
	s8 =	simm.s32 @!p0 $0x1BF5;
	p2 =	por !p2, p0  }
0x20: {  	[sflag:s8] =	ssyncset.s32 @!p0 $0xFFFFF086;
	s6 =	sadd.s32 @!p0 s3, s7;
	s7 =	simm.s32 @!p0 $0x108  }
0x21: {  	s3 =	sadd.s32 s3, s9;
	s6 =	sadd.s32 @!p0 $0x88, s6;
	s7 =	simm.s32 @p2 $0x1082  }
0x22: {  	[simem:s7], [sflag:s8] =	dma.local @!p0 [hbm:s6], $0xF7A  }
0x23: {  	s9 =	sor.u32 $0xD0000000, s2;
	s6 =	simm.s32 $0x108;
	_ =	swait.ge @!p0 [sflag:s8], $0x0  }
0x24: {  	s3 =	sadd.s32 $0x88, s3;
	s6 =	simm.s32 @!p1 $0x1082;
	[sflag:s4] =	ssyncset.s32 $0xFFFFF086  }
0x25: {  	[simem:s6], [sflag:s4] =	dma.local [hbm:s3], $0xF7A  }
0x26: {  	[smem:$0x3F98] =	sst s1;
	(tag) =	ssettag s2;
	_ =	strace s9  }
0x27: {  	s1 =	sld [smem:$0x3FA8]  }
0x28: {  	s2 =	sld [smem:$0x3FA9]  }
0x29: {  	s4 =	sld [smem:$0x3FAB]  }
0x2a: {  	p0 =	seq.s32 s5, $0x0;
	s5 =	sld [smem:$0x3FAC]  }
0x2b: {  	s6 =	sld [smem:$0x3FAD]  }
0x2c: {  	s7 =	sld [smem:$0x3FAE]  }
0x2d: {  	s3 =	simm.s32 $0x108;
	s8 =	sld [smem:$0x3FAF]  }
0x2e: {  	s3 =	simm.s32 @!p0 $0x1082;
	s9 =	sld [smem:$0x3FB0]  }
0x2f: {  	lr =	sadd.s32 s0, s3;
	s0 =	sld [smem:$0x3FA7]  }
0x30: {  	s3 =	sld [smem:$0x3FAA]  }
0x31: {  	[smem:$0x3FB3] =	sst s10  }
0x32: {  	s10 =	sld [smem:$0x3FB1];
	_ =	sdelay $0x3  }
0x33: {  	p0 =	seq.s32 s10, $0x1;
	s10 =	sld [smem:$0x3FB3];
	_ =	sdelay $0x3  }
0x34: {  	[smem:$0x3FB3] =	sst s10  }
0x35: {  	s10 =	sld [smem:$0x3FB2];
	_ =	sdelay $0x3  }
0x36: {  	p1 =	seq.s32 s10, $0x1;
	s10 =	sld [smem:$0x3FB3];
	_ =	sdelay $0x3  }
0x37: {  	[smem:$0x3FB3] =	sst s10  }
0x38: {  	s10 =	sld [smem:$0x3FB4]  }
0x39: {  	_ = 	snop;
	(pc) =	sbr.ind lr, $3  }
0x3a: {  	_ = 	snop  }
0x3b: {  	_ = 	snop  }
0x3c: {  	p2 =	seq.s32 s10, $0x1;
	s10 =	sld [smem:$0x3FB3]  }
0x3d: {  	_ =	shalt  }
0x3e: {  	_ =	shalt  }
0x3f: {  	_ =	shalt  }
0x40: {  	_ =	shalt  }
0x41: {  	_ =	shalt  }
0x42: {  	_ =	shalt  }
0x43: {  	_ =	shalt  }
0x44: {  	_ =	shalt  }
0x45: {  	_ =	shalt  }
0x46: {  	_ =	shalt  }
0x47: {  	_ =	shalt  }
0x48: {  	_ =	shalt  }
0x49: {  	_ =	shalt  }
0x4a: {  	_ =	shalt  }
0x4b: {  	_ =	shalt  }
0x4c: {  	_ =	shalt  }
0x4d: {  	_ =	shalt  }
0x4e: {  	_ =	shalt  }
0x4f: {  	_ =	shalt  }
0x50: {  	_ =	shalt  }
0x51: {  	_ =	shalt  }
0x52: {  	_ =	shalt  }
0x53: {  	_ =	shalt  }
0x54: {  	_ =	shalt  }
0x55: {  	_ =	shalt  }
0x56: {  	_ =	shalt  }
0x57: {  	_ =	shalt  }
0x58: {  	_ =	shalt  }
0x59: {  	_ =	shalt  }
0x5a: {  	_ =	shalt  }
0x5b: {  	_ =	shalt  }
0x5c: {  	_ =	shalt  }
0x5d: {  	_ =	shalt  }
0x5e: {  	_ =	shalt  }
0x5f: {  	_ =	shalt  }
0x60: {  	_ =	shalt  }
0x61: {  	_ =	shalt  }
0x62: {  	_ =	shalt  }
0x63: {  	_ =	shalt  }
0x64: {  	_ =	shalt  }
0x65: {  	_ =	shalt  }
0x66: {  	_ =	shalt  }
0x67: {  	_ =	shalt  }
0x68: {  	_ =	shalt  }
0x69: {  	_ =	shalt  }
0x6a: {  	_ =	shalt  }
0x6b: {  	_ =	shalt  }
0x6c: {  	_ =	shalt  }
0x6d: {  	_ =	shalt  }
0x6e: {  	_ =	shalt  }
0x6f: {  	_ =	shalt  }
0x70: {  	_ =	shalt  }
0x71: {  	_ =	shalt  }
0x72: {  	_ =	shalt  }
0x73: {  	_ =	shalt  }
0x74: {  	_ =	shalt  }
0x75: {  	_ =	shalt  }
0x76: {  	_ =	shalt  }
0x77: {  	_ =	shalt  }
0x78: {  	_ =	shalt  }
0x79: {  	_ =	shalt  }
0x7a: {  	_ =	shalt  }
0x7b: {  	_ =	shalt  }
0x7c: {  	_ =	shalt  }
0x7d: {  	_ =	shalt  }
0x7e: {  	_ =	shalt  }
0x7f: {  	_ =	shalt  }
0x80: {  	_ =	shalt  }
0x81: {  	_ =	shalt  }
0x82: {  	_ =	shalt  }
0x83: {  	_ =	shalt  }
0x84: {  	_ =	shalt  }
0x85: {  	_ =	shalt  }
0x86: {  	_ =	shalt  }
0x87: {  	_ =	shalt  }
.Lfunc_end0:
.L_simem_size_0:
called_computation_lowered:
.L_overlay_start_0:
0x88: {  	s2 =	sld [smem:$0x3FD9]  }
0x89: {  	s3 =	sld [smem:$0x3FFE];
	_ =	sdelay $0x1  }
0x8a: {  	s1 =	srdreg.scid  }
0x8b: {  	s0 =	sand.u32 $0x1, s1  }
0x8c: {  	s17 =	sshll.u32 s0, $0xA;
	s2 =	sadd.s32 s3, s2  }
0x8d: {  	s2 =	sadd.s32 s2, s17  }
0x8e: {  	[smem:$0x3FBF] =	sst s2  }
0x8f: {  	_ = 	snop  }
0x90: {  	s2 =	sld [smem:$0x3FC9]  }
0x91: {  	s18 =	sld [smem:$0x3FC7]  }
0x92: {  	s4 =	sld [smem:$0x3FD0];
	(tm) =	ssettm $0x1  }
0x93: {  	s5 =	sld [smem:$0x3FFB];
	_ =	sdelay $0x3  }
0x94: {  	_ =	strace s5  }
0x95: {  	s5 =	sld [smem:$0x3FFC];
	_ =	sdelay $0x3  }
0x96: {  	_ =	strace s5  }
0x97: {  	s5 =	sld [smem:$0x3FFD];
	_ =	sdelay $0x3  }
0x98: {  	_ =	strace s5  }
0x99: {  	_ =	strace $0x8FFFFFFF  }
0x9a: {  	s19 =	sld [smem:$0x3FDB];
	_ =	sdelay $0x1  }
0x9b: {  	s6 =	simm.s32 $_scs_section_size  }
0x9c: {  	s7 =	simm.s32 $_size__tile_overlayer_lowered;
	s8 =	simm.s32 $_tile_overlayer_lowered  }
0x9d: {  	s22 =	simm.s32 $0x1BFF;
	s21 =	sshll.u32 s8, $0x1;
	s5 =	sadd.s32 s6, s19  }
0x9e: {  	s9 =	simm.s32 $0x0;
	s20 =	sshll.u32 s7, $0x1;
	s7 =	sadd.s32 s21, s5  }
0x9f: {  	[timem:s9], [sflag:s22] =	dma.local [hbm:s7], s20  }
0xa0: {  	_ =	swait.ge [sflag:s22], s20  }
0xa1: {  	s6 =	ssub.s32 $0x0, s20;
	[sflag:s22] =	ssyncset.done $0x0  }
0xa2: {  	[sflag:s22] =	ssyncadd.s32 s6;
	_ =	sdelay $0x1  }
0xa3: {  	s23 =	simm.s32 $0x1B8B  }
0xa4: {  	_ =	swait.ge [sflag:s23], $0x1  }
0xa5: {  	[sflag:s23] =	ssyncset.done $0x0  }
0xa6: {  	s25 =	simm.s32 $0x1B8E;
	s24 =	sld [smem:$0x3FFE];
	[sflag:s23] =	ssyncadd.s32 $0xFFFFFFFF  }
0xa7: {  	s26 =	simm.s32 $execute0_lowered;
	[smem:$0x3FD2] =	sst s25  }
0xa8: {  	s7 =	sshll.u32 s26, $0x1;
	_ =	strace $0x80000046;
	[dreg:$0x1] =	wrdreg $0xFFFFFFFF  }
0xa9: {  	s28 =	simm.s32 $_size_execute0_lowered;
	s5 =	sadd.s32 s5, s7;
	[dreg:$0x0] =	wrdreg $0x0  }
0xaa: {  	s7 =	sshll.u32 s28, $0x1;
	[dreg:$0x2] =	wrdreg s5  }
0xab: {  	[dreg:$0x3] =	wrdreg s7  }
0xac: {  	[dreg:$0x4] =	wrdreg $0xC0  }
0xad: {  	_ =	task [dreg:s9], $0x5FFFF  }
0xae: {  	[dreg:$0x1] =	wrdreg $0xFFFFFFFF  }
0xaf: {  	[dreg:$0x0] =	wrdreg $0x60  }
0xb0: {  	[dreg:$0x2] =	wrdreg s2  }
0xb1: {  	[dreg:$0x3] =	wrdreg s24  }
0xb2: {  	[dreg:$0x4] =	wrdreg s4  }
0xb3: {  	[dreg:$0x5] =	wrdreg s18  }
0xb4: {  	[dreg:$0x6] =	wrdreg $0x9B800  }
0xb5: {  	[dreg:$0x7] =	wrdreg $0x9  }
0xb6: {  	_ =	task.clear_ibuf [dreg:s9], $0x8FFFF;
	_ =	strace $0x90000046  }
0xb7: {  	s29 =	simm.s32 $0x9;
	_ =	strace $0x80000048  }
0xb8: {  	_ =	swait.ge [sflag:s29], $0x1  }
0xb9: {  	[sflag:s29] =	ssyncadd.s32 $0xFFFFFFFF  }
0xba: {  	_ =	strace $0x90000048  }
0xbb: {  	_ =	sfence  }
0xbc: {  	s30 =	sld [smem:$0x0];
	_ =	sdelay $0x2  }
0xbd: {  	s31 =	sshll.u32 s1, $0xD;
	s1 =	sshrl.u32 s1, $0x2  }
0xbe: {  	s3 =	sand.u32 $0x4000, s31;
	s1 =	sadd.s32 s1, s30  }
0xbf: {  	s0 =	sor.u32 s3, s0;
	s1 =	sshll.u32 s1, $0x11  }
0xc0: {  	s0 =	sor.u32 s1, s0  }
0xc1: {  	s0 =	sadd.s32 $0x8F2B, s0  }
0xc2: {  	[sflag:s0] =	ssyncadd.remote.s32 $0x1  }
0xc3: {  	_ =	sfence.sel $0xFFFF  }
0xc4: {  	[dreg:$0x0] =	wrdreg $0xFFFFFFFF;
	(pc) =	sbr.abs _section_cstart, $3  }
0xc5: {  	[dreg:$0x1] =	wrdreg $0xFFFFFFFF  }
0xc6: {  	_ =	task.clear_ibuf [dreg:s9], $0x2FFFF;
	_ =	strace $0x9FFFFFFF  }
0xc7: {  	(tm) =	ssettm $0x7FFFFFFF  }
tec
execute0_lowered:
.L_overlay_start_1:
0x0: {  	(tag) =	ssettag $0x1  }
0x1: {  	s1 =	rddreg [dreg:$0x0]  }
0x2: {  	s0 =	rddreg [dreg:$0x1]  }
0x3: {  	s2 =	rddreg [dreg:$0x2]  }
0x4: {  	s6 =	rddreg [dreg:$0x3]  }
0x5: {  	s3 =	rddreg [dreg:$0x4]  }
0x6: {  	s5 =	srdreg.scid;
	s15 =	stileid.u32  }
0x7: {  	s4 =	simm.s32 $0x0;
	s7 =	sand.u32 $0x1, s5;
	s17 =	smul.u32 $0x2800, s15  }
0x8: {  	s31 =	simm.s32 $0x7;
	[smem:$0x7FF] =	sst s4;
	s8 =	smul.u32 $0x28000, s7  }
0x9: {  	s9 =	sadd.s32 $0xC00, s0;
	s10 =	sshll.u32 s15, $0x1;
	s18 =	smul.u32 $0x50000, s15  }
0xa: {  	p0 =	sgt.u32 s15, $0x1;
	s5 =	sadd.s32 s17, s8;
	s8 =	sor.u32 s7, s10  }
0xb: {  	_ =	strace $0x80000047;
	s19 =	ssub.s32 $0x2, s7;
	s11 =	smul.u32 $0x4E, s8  }
0xc: {  	s12 =	sshrl.u32 s19, $0x1;
	s10 =	sshrl.u32 s18, $0x2;
	s13 =	smul.u32 $0x4E0, s8  }
0xd: {  	s12 =	ssub.s32 s19, s12;
	s0 =	sadd.s32 s5, s0;
	s20 =	smul.u32 $0x27000, s8  }
0xe: {  	s5 =	sadd.s32 s10, s3;
	s26 =	smul.u32 $0x138000, s8;
	s8 =	sshll.u32 s8, $0x7  }
0xf: {  	s7 =	smul.u32 $0x27000, s7;
	s14 =	sadd.s32 $0x4000, s5;
	s8 =	sor.u32 $0x4E000, s8  }
0x10: {  	s0 =	sadd.s32 $0xAA00, s0;
	s28 =	sadd.s32 $0xC000, s5;
	s29 =	sadd.s32 $0x10000, s5  }
0x11: {  	[dreg:$0x6] =	wrdreg s14;
	s21 =	sadd.s32 s9, s13;
	s22 =	sadd.s32 $0x1A, s11  }
0x12: {  	s13 =	sadd.s32 s2, s13;
	s16 =	sadd.s32 s6, s20;
	[dreg:$0x14] =	wrdreg s0  }
0x13: {  	s17 =	sadd.s32 $0x34, s11;
	s18 =	sshrl.u32 s26, $0x3;
	[dreg:$0x7] =	wrdreg s21  }
0x14: {  	s0 =	simm.s32 $0x8000;
	s14 =	simm.s32 $0x0;
	[dreg:$0x8] =	wrdreg s13  }
0x15: {  	s23 =	sshll.u32 s22, $0x4;
	s25 =	sshll.u32 s22, $0xB;
	s19 =	sshll.u32 s17, $0x4  }
0x16: {  	s11 =	sadd.s32 s6, s18;
	s21 =	sshrl.u32 s8, $0x3;
	s24 =	sadd.s32 s9, s23  }
0x17: {  	s22 =	smul.u32 $0x4E000, s15;
	s10 =	sadd.s32 s2, s23;
	[dreg:$0x9] =	wrdreg s24  }
0x18: {  	s8 =	sshll.u32 s8, $0x4;
	s13 =	sadd.s32 s6, s25;
	[dreg:$0xa] =	wrdreg s10  }
0x19: {  	s30 =	sadd.s32 $0x800, s16;
	s20 =	sadd.s32 s9, s19;
	[dreg:$0xb] =	wrdreg s13  }
0x1a: {  	s15 =	simm.s32 $0x8D00;
	s9 =	sadd.s32 s9, s21;
	[dreg:$0xc] =	wrdreg s20  }
0x1b: {  	s23 =	sadd.s32 $0xD800, s11;
	s25 =	sadd.s32 $0x1A800, s11;
	[dreg:$0xe] =	wrdreg s9  }
0x1c: {  	s11 =	simm.s32 $0x9A80;
	s13 =	sadd.s32 s2, s19;
	[dreg:$0x10] =	wrdreg s23  }
0x1d: {  	s10 =	sshll.u32 s17, $0xB;
	s2 =	sadd.s32 s2, s21;
	[dreg:$0x12] =	wrdreg s25  }
0x1e: {  	s21 =	smov.u32 s16;
	s16 =	simm.s32 $0x4000;
	[dreg:$0xd] =	wrdreg s13  }
0x1f: {  	s20 =	simm.s32 $0x1;
	[dreg:$0xf] =	wrdreg s2;
	s24 =	sadd.s32 s6, s10  }
0x20: {  	s2 =	sadd.s32 s22, s6;
	s6 =	sadd.s32 s6, s8;
	s22 =	smax.u32 s12, $0x1  }
.Ltmp0:
0x21: {  	s8 =	simm.s32 $0x9A00;
	s10 =	simm.s32 $0x4;
	(pc) =	sbr.rel .LBB2_1-.Ltmp0, $4  }
0x22: {  	s12 =	simm.s32 $0x5;
	s13 =	simm.s32 $0x6;
	[dreg:$0x11] =	wrdreg s24  }
0x23: {  	[dreg:$0x13] =	wrdreg s6;
	s26 =	sadd.s32 s7, s2;
	s2 =	simm.s32 $0x80  }
0x24: {  	s6 =	simm.s32 $0x2;
	s7 =	simm.s32 $0x3;
	s17 =	sadd.s32 $0x1000, s26  }
0x25: {  	v0 =	vimm.f32 $0.0e+00;
	s24 =	sadd.s32 $0xE000, s26;
	s25 =	sadd.s32 $0x1B000, s26;
	s26 =	sadd.s32 $0x8000, s5  }
.LBB2_15:
0x26: {  	[tilespmem:s9+$0x10] =	vst v6;
	v4 =	vmax.f32 v4, $0.0e+00;
	v63 =	vld [tilespmem:s9+$0x70]  }
0x27: {  	v2 =	vmax.f32 v2, $0.0e+00;
	[tilespmem:s9+$0x20] =	vst v4  }
0x28: {  	v1 =	vmax.f32 v1, $0.0e+00;
	[tilespmem:s9+$0x30] =	vst v2  }
0x29: {  	[tilespmem:s9+$0x40] =	vst v1;
	v1 =	vmax.f32 v3, $0.0e+00  }
0x2a: {  	[tilespmem:s9+$0x50] =	vst v1;
	v1 =	vmax.f32 v5, $0.0e+00  }
0x2b: {  	[tilespmem:s9+$0x60] =	vst v1;
	v1 =	vmax.f32 v63, $0.0e+00  }
0x2c: {  	[tilespmem:s9+$0x70] =	vst v1  }
0x2d: {  	[spmem:s3] =	stream.indirect.scatter.add.f32 [tilespmem:s4], [sflag:$0x7], $0x80, s8, s2, $0xb8;
	[tilespmem:$0x1DB80] =	vst v63  }
0x2e: {  	_ =	swait.ge [sflag:s31], $0x4000  }
0x2f: {  	[sflag:s31] =	ssyncset.done $0x0  }
0x30: {  	[sflag:s31] =	ssyncadd.s32 $0xFFFFC000  }
.LBB2_16:
0x31: {  	s9 =	stileid.u32;
	[bflag:$0x0] =	sbarrier.arrive $0xFFFF;
	s14 =	sadd.s32 $0x1, s14  }
0x32: {  	s18 =	sshrl.u32 s5, $0x3;
	s9 =	sshll.u32 s9, $0x6;
	p1 =	sne.s32 s14, s22  }
.Ltmp1:
0x33: {  	s19 =	rddreg [dreg:$0x14];
	s9 =	sor.u32 $0x1C07, s9;
	(pc) =	sbr.rel @!p1 .LBB2_17-.Ltmp1, $4  }
0x34: {  	[hbm:s19], [sflag:s9] =	dma.local [spmem:s18], $0x2800  }
0x35: {  	_ =	swait.ge [sflag:s31], $0x2800  }
0x36: {  	[sflag:s31] =	ssyncset.done $0x0  }
0x37: {  	[sflag:s31] =	ssyncadd.s32 $0xFFFFD800  }
.LBB2_1:
0x38: {  	s9 =	simm.s32 $0x0;
	s23 =	simm.s32 $0x200  }
.LBB2_2:
0x39: {  	p1 =	sne.s32 s23, $0xFE00;
	[tilespmem:s9+$0x70] =	vst v0  }
0x3a: {  	[tilespmem:s9+$0x0] =	vst v0  }
0x3b: {  	[tilespmem:s9+$0x10] =	vst v0  }
.Ltmp2:
0x3c: {  	[tilespmem:s9+$0x20] =	vst v0;
	(pc) =	sbr.rel @p1 .LBB2_2-.Ltmp2, $4  }
0x3d: {  	[tilespmem:s9+$0x30] =	vst v0  }
0x3e: {  	[tilespmem:s9+$0x40] =	vst v0  }
0x3f: {  	[tilespmem:s9+$0x50] =	vst v0  }
0x40: {  	[tilespmem:s9+$0x60] =	vst v0;
	s9 =	sshra.s32 s23, $0x2;
	s23 =	sadd.s32 $0x200, s23  }
0x41: {  	[tilespmem:s9+$0x70] =	vst v0  }
0x42: {  	[tilespmem:s9+$0x0] =	vst v0  }
0x43: {  	[tilespmem:s9+$0x10] =	vst v0  }
0x44: {  	[tilespmem:s9+$0x20] =	vst v0  }
0x45: {  	[tilespmem:s9+$0x30] =	vst v0  }
0x46: {  	[tilespmem:s9+$0x40] =	vst v0  }
0x47: {  	[tilespmem:s9+$0x50] =	vst v0  }
0x48: {  	[tilespmem:s9+$0x60] =	vst v0;
	s9 =	simm.s32 $0x0  }
0x49: {  	[spmem:s5] =	stream.linear.scatter [tilespmem:s9], [sflag:$0x7], $0x4000, $0x38;
	[tilespmem:$0x1DB80] =	vst v63  }
0x4a: {  	_ =	swait.ge [sflag:s31], $0x4000  }
0x4b: {  	[sflag:s31] =	ssyncset.done $0x0  }
0x4c: {  	s18 =	rddreg [dreg:$0x6];
	[sflag:s31] =	ssyncadd.s32 $0xFFFFC000  }
0x4d: {  	[spmem:s18] =	stream.linear.scatter [tilespmem:s9], [sflag:$0x7], $0x4000, $0x38;
	[tilespmem:$0x1DB80] =	vst v63  }
0x4e: {  	_ =	swait.ge [sflag:s31], $0x4000  }
0x4f: {  	[sflag:s31] =	ssyncset.done $0x0  }
0x50: {  	[sflag:s31] =	ssyncadd.s32 $0xFFFFC000  }
0x51: {  	[spmem:s26] =	stream.linear.scatter [tilespmem:s9], [sflag:$0x7], $0x4000, $0x38;
	[tilespmem:$0x1DB80] =	vst v63  }
0x52: {  	_ =	swait.ge [sflag:s31], $0x4000  }
0x53: {  	[sflag:s31] =	ssyncset.done $0x0  }
0x54: {  	[sflag:s31] =	ssyncadd.s32 $0xFFFFC000  }
0x55: {  	[spmem:s28] =	stream.linear.scatter [tilespmem:s9], [sflag:$0x7], $0x4000, $0x38;
	[tilespmem:$0x1DB80] =	vst v63  }
0x56: {  	_ =	swait.ge [sflag:s31], $0x4000  }
0x57: {  	[sflag:s31] =	ssyncset.done $0x0  }
0x58: {  	[sflag:s31] =	ssyncadd.s32 $0xFFFFC000  }
0x59: {  	[spmem:s29] =	stream.linear.scatter [tilespmem:s9], [sflag:$0x7], $0x4000, $0x38;
	[tilespmem:$0x1DB80] =	vst v63  }
0x5a: {  	_ =	swait.ge [sflag:s31], $0x4000  }
0x5b: {  	[sflag:s31] =	ssyncset.done $0x0  }
0x5c: {  	[sflag:s31] =	ssyncadd.s32 $0xFFFFC000  }
0x5d: {  	[bflag:$0x0] =	sbarrier.arrive $0xFFFF  }
0x5e: {  	s19 =	rddreg [dreg:$0x7]  }
0x5f: {  	[tilespmem:s0], [sflag:$0x7] =	stream.linear.gather [hbm4b:s19+s9], $0xD00, $0x38;
	[tilespmem:$0x1DB80] =	vst v63  }
0x60: {  	_ =	swait.ge [sflag:s31], $0xD00  }
0x61: {  	[sflag:s31] =	ssyncset.done $0x0  }
0x62: {  	s23 =	rddreg [dreg:$0x8];
	[sflag:s31] =	ssyncadd.s32 $0xFFFFF300  }
0x63: {  	[tilespmem:s15], [sflag:$0x7] =	stream.linear.gather [hbm4b:s23+s9], $0xD00, $0x38;
	[tilespmem:$0x1DB80] =	vst v63  }
0x64: {  	_ =	swait.ge [sflag:s31], $0xD00  }
0x65: {  	[sflag:s31] =	ssyncset.done $0x0  }
0x66: {  	[sflag:s31] =	ssyncadd.s32 $0xFFFFF300  }
0x67: {  	[tilespmem:s9], [sflag:$0x1] =	stream.linear.gather [hbm4b:s21+s9], $0x4000, $0x38;
	[tilespmem:$0x1DB80] =	vst v63  }
0x68: {  	s23 =	smov.u32 s17  }
0x69: {  	[tilespmem:s16], [sflag:$0x2] =	stream.linear.gather [hbm4b:s30+s9], $0x4000, $0x38;
	[tilespmem:$0x1DB80] =	vst v63  }
.LBB2_4:
0x6a: {  	_ =	swait.ge [sflag:s20], $0x4000  }
0x6b: {  	s18 =	sshra.s32 s9, $0x2;
	[sflag:s20] =	ssyncset.done $0x0  }
0x6c: {  	s19 =	sadd.s32 $0x8000, s18;
	[sflag:s20] =	ssyncadd.s32 $0xFFFFC000  }
0x6d: {  	[tilespmem:s4], [sflag:$0x3] =	stream.indirect.gather.add.f32 [hbm:s1], $0x80, s19, s2, $0xb8;
	[tilespmem:$0x1DB80] =	vst v63  }
0x6e: {  	_ =	swait.ge [sflag:s6], $0x4000  }
0x6f: {  	[sflag:s6] =	ssyncset.done $0x0  }
0x70: {  	s19 =	sadd.s32 $0x8080, s18;
	[sflag:s6] =	ssyncadd.s32 $0xFFFFC000  }
0x71: {  	[tilespmem:s16], [sflag:$0x4] =	stream.indirect.gather.add.f32 [hbm:s1], $0x80, s19, s2, $0xb8;
	[tilespmem:$0x1DB80] =	vst v63  }
0x72: {  	_ =	swait.ge [sflag:s7], $0x4000  }
0x73: {  	[sflag:s7] =	ssyncset.done $0x0  }
0x74: {  	[sflag:s7] =	ssyncadd.s32 $0xFFFFC000  }
0x75: {  	v1 =	vld [tilespmem:s18+$0x8D00];
	_ =	sdelay $0x4  }
0x76: {  	[tilespmem:$0x9A00] =	vst v1  }
0x77: {  	v1 =	vld [tilespmem:s18+$0x8D10];
	_ =	sdelay $0x4  }
0x78: {  	[tilespmem:$0x9A10] =	vst v1  }
0x79: {  	v1 =	vld [tilespmem:s18+$0x8D20];
	_ =	sdelay $0x4  }
0x7a: {  	[tilespmem:$0x9A20] =	vst v1  }
0x7b: {  	v1 =	vld [tilespmem:s18+$0x8D30];
	_ =	sdelay $0x4  }
0x7c: {  	[tilespmem:$0x9A30] =	vst v1  }
0x7d: {  	v1 =	vld [tilespmem:s18+$0x8D40];
	_ =	sdelay $0x4  }
0x7e: {  	[tilespmem:$0x9A40] =	vst v1  }
0x7f: {  	v1 =	vld [tilespmem:s18+$0x8D50];
	_ =	sdelay $0x4  }
0x80: {  	[tilespmem:$0x9A50] =	vst v1  }
0x81: {  	v1 =	vld [tilespmem:s18+$0x8D60];
	_ =	sdelay $0x4  }
0x82: {  	[tilespmem:$0x9A60] =	vst v1  }
0x83: {  	v1 =	vld [tilespmem:s18+$0x8D70];
	_ =	sdelay $0x4  }
0x84: {  	[tilespmem:$0x9A70] =	vst v1  }
0x85: {  	[spmem:s3] =	stream.indirect.scatter.add.f32 [tilespmem:s4], [sflag:$0x5], $0x80, s8, s2, $0xb8;
	[tilespmem:$0x1DB80] =	vst v63  }
0x86: {  	_ =	swait.ge [sflag:s10], $0x4000  }
0x87: {  	[sflag:s10] =	ssyncset.done $0x0  }
0x88: {  	[sflag:s10] =	ssyncadd.s32 $0xFFFFC000  }
0x89: {  	v1 =	vld [tilespmem:s18+$0x8D80];
	_ =	sdelay $0x4  }
0x8a: {  	[tilespmem:$0x9A80] =	vst v1  }
0x8b: {  	v1 =	vld [tilespmem:s18+$0x8D90];
	_ =	sdelay $0x4  }
0x8c: {  	[tilespmem:$0x9A90] =	vst v1  }
0x8d: {  	v1 =	vld [tilespmem:s18+$0x8DA0];
	_ =	sdelay $0x4  }
0x8e: {  	[tilespmem:$0x9AA0] =	vst v1  }
0x8f: {  	v1 =	vld [tilespmem:s18+$0x8DB0];
	_ =	sdelay $0x4  }
0x90: {  	[tilespmem:$0x9AB0] =	vst v1  }
0x91: {  	v1 =	vld [tilespmem:s18+$0x8DC0];
	_ =	sdelay $0x4  }
0x92: {  	[tilespmem:$0x9AC0] =	vst v1  }
0x93: {  	v1 =	vld [tilespmem:s18+$0x8DD0];
	_ =	sdelay $0x4  }
0x94: {  	[tilespmem:$0x9AD0] =	vst v1  }
0x95: {  	v1 =	vld [tilespmem:s18+$0x8DE0];
	_ =	sdelay $0x4  }
0x96: {  	[tilespmem:$0x9AE0] =	vst v1  }
0x97: {  	v1 =	vld [tilespmem:s18+$0x8DF0];
	_ =	sdelay $0x3  }
0x98: {  	p1 =	seq.s32 s9, $0x3000  }
.Ltmp3:
0x99: {  	[tilespmem:$0x9AF0] =	vst v1;
	(pc) =	sbr.rel @p1 .LBB2_6-.Ltmp3, $4  }
0x9a: {  	[spmem:s3] =	stream.indirect.scatter.add.f32 [tilespmem:s16], [sflag:$0x6], $0x80, s11, s2, $0xb8;
	[tilespmem:$0x1DB80] =	vst v63  }
0x9b: {  	_ =	swait.ge [sflag:s12], $0x4000  }
0x9c: {  	[sflag:s12] =	ssyncset.done $0x0  }
0x9d: {  	[sflag:s12] =	ssyncadd.s32 $0xFFFFC000  }
0x9e: {  	[tilespmem:s4], [sflag:$0x1] =	stream.linear.gather [hbm4b:s23+s4], $0x4000, $0x38;
	[tilespmem:$0x1DB80] =	vst v63  }
.Ltmp4:
0x9f: {  	_ = 	snop;
	(pc) =	sbr.rel .LBB2_4-.Ltmp4, $4  }
0xa0: {  	_ =	swait.ge [sflag:s13], $0x4000  }
0xa1: {  	s18 =	sadd.s32 $0x800, s23;
	[sflag:s13] =	ssyncset.done $0x0  }
0xa2: {  	s9 =	sadd.s32 $0x400, s9;
	s23 =	sadd.s32 $0x1000, s23;
	[sflag:s13] =	ssyncadd.s32 $0xFFFFC000  }
0xa3: {  	[tilespmem:s16], [sflag:$0x2] =	stream.linear.gather [hbm4b:s18+s4], $0x4000, $0x38;
	[tilespmem:$0x1DB80] =	vst v63  }
.LBB2_6:
0xa4: {  	_ =	swait.ge [sflag:s13], $0x4000  }
0xa5: {  	[sflag:s13] =	ssyncset.done $0x0  }
0xa6: {  	s9 =	simm.s32 $0x0;
	s18 =	rddreg [dreg:$0x9];
	[sflag:s13] =	ssyncadd.s32 $0xFFFFC000  }
0xa7: {  	[tilespmem:s0], [sflag:$0x7] =	stream.linear.gather [hbm4b:s18+s9], $0xD00, $0x38;
	[tilespmem:$0x1DB80] =	vst v63  }
0xa8: {  	_ =	swait.ge [sflag:s31], $0xD00  }
0xa9: {  	[sflag:s31] =	ssyncset.done $0x0  }
0xaa: {  	s23 =	rddreg [dreg:$0xa];
	[sflag:s31] =	ssyncadd.s32 $0xFFFFF300  }
0xab: {  	[tilespmem:s15], [sflag:$0x7] =	stream.linear.gather [hbm4b:s23+s9], $0xD00, $0x38;
	[tilespmem:$0x1DB80] =	vst v63  }
0xac: {  	_ =	swait.ge [sflag:s31], $0xD00  }
0xad: {  	[sflag:s31] =	ssyncset.done $0x0  }
0xae: {  	s19 =	rddreg [dreg:$0xb];
	[sflag:s31] =	ssyncadd.s32 $0xFFFFF300  }
0xaf: {  	[tilespmem:s9], [sflag:$0x1] =	stream.linear.gather [hbm4b:s19+s9], $0x4000, $0x38;
	[tilespmem:$0x1DB80] =	vst v63  }
0xb0: {  	s23 =	rddreg [dreg:$0x10]  }
0xb1: {  	[tilespmem:s16], [sflag:$0x2] =	stream.linear.gather [hbm4b:s23+s9], $0x4000, $0x38;
	[tilespmem:$0x1DB80] =	vst v63  }
0xb2: {  	s23 =	smov.u32 s24  }
.LBB2_7:
0xb3: {  	_ =	swait.ge [sflag:s20], $0x4000  }
0xb4: {  	s18 =	sshra.s32 s9, $0x2;
	[sflag:s20] =	ssyncset.done $0x0  }
0xb5: {  	s19 =	sadd.s32 $0x8000, s18;
	[sflag:s20] =	ssyncadd.s32 $0xFFFFC000  }
0xb6: {  	[tilespmem:s4], [sflag:$0x3] =	stream.indirect.gather.add.f32 [hbm:s1], $0x80, s19, s2, $0xb8;
	[tilespmem:$0x1DB80] =	vst v63  }
0xb7: {  	_ =	swait.ge [sflag:s6], $0x4000  }
0xb8: {  	[sflag:s6] =	ssyncset.done $0x0  }
0xb9: {  	s19 =	sadd.s32 $0x8080, s18;
	[sflag:s6] =	ssyncadd.s32 $0xFFFFC000  }
0xba: {  	[tilespmem:s16], [sflag:$0x4] =	stream.indirect.gather.add.f32 [hbm:s1], $0x80, s19, s2, $0xb8;
	[tilespmem:$0x1DB80] =	vst v63  }
0xbb: {  	_ =	swait.ge [sflag:s7], $0x4000  }
0xbc: {  	[sflag:s7] =	ssyncset.done $0x0  }
0xbd: {  	[sflag:s7] =	ssyncadd.s32 $0xFFFFC000  }
0xbe: {  	v1 =	vld [tilespmem:s18+$0x8D00];
	_ =	sdelay $0x4  }
0xbf: {  	[tilespmem:$0x9A00] =	vst v1  }
0xc0: {  	v1 =	vld [tilespmem:s18+$0x8D10];
	_ =	sdelay $0x4  }
0xc1: {  	[tilespmem:$0x9A10] =	vst v1  }
0xc2: {  	v1 =	vld [tilespmem:s18+$0x8D20];
	_ =	sdelay $0x4  }
0xc3: {  	[tilespmem:$0x9A20] =	vst v1  }
0xc4: {  	v1 =	vld [tilespmem:s18+$0x8D30];
	_ =	sdelay $0x4  }
0xc5: {  	[tilespmem:$0x9A30] =	vst v1  }
0xc6: {  	v1 =	vld [tilespmem:s18+$0x8D40];
	_ =	sdelay $0x4  }
0xc7: {  	[tilespmem:$0x9A40] =	vst v1  }
0xc8: {  	v1 =	vld [tilespmem:s18+$0x8D50];
	_ =	sdelay $0x4  }
0xc9: {  	[tilespmem:$0x9A50] =	vst v1  }
0xca: {  	v1 =	vld [tilespmem:s18+$0x8D60];
	_ =	sdelay $0x4  }
0xcb: {  	[tilespmem:$0x9A60] =	vst v1  }
0xcc: {  	v1 =	vld [tilespmem:s18+$0x8D70];
	_ =	sdelay $0x4  }
0xcd: {  	[tilespmem:$0x9A70] =	vst v1  }
0xce: {  	[spmem:s3] =	stream.indirect.scatter.add.f32 [tilespmem:s4], [sflag:$0x5], $0x80, s8, s2, $0xb8;
	[tilespmem:$0x1DB80] =	vst v63  }
0xcf: {  	_ =	swait.ge [sflag:s10], $0x4000  }
0xd0: {  	[sflag:s10] =	ssyncset.done $0x0  }
0xd1: {  	[sflag:s10] =	ssyncadd.s32 $0xFFFFC000  }
0xd2: {  	v1 =	vld [tilespmem:s18+$0x8D80];
	_ =	sdelay $0x4  }
0xd3: {  	[tilespmem:$0x9A80] =	vst v1  }
0xd4: {  	v1 =	vld [tilespmem:s18+$0x8D90];
	_ =	sdelay $0x4  }
0xd5: {  	[tilespmem:$0x9A90] =	vst v1  }
0xd6: {  	v1 =	vld [tilespmem:s18+$0x8DA0];
	_ =	sdelay $0x4  }
0xd7: {  	[tilespmem:$0x9AA0] =	vst v1  }
0xd8: {  	v1 =	vld [tilespmem:s18+$0x8DB0];
	_ =	sdelay $0x4  }
0xd9: {  	[tilespmem:$0x9AB0] =	vst v1  }
0xda: {  	v1 =	vld [tilespmem:s18+$0x8DC0];
	_ =	sdelay $0x4  }
0xdb: {  	[tilespmem:$0x9AC0] =	vst v1  }
0xdc: {  	v1 =	vld [tilespmem:s18+$0x8DD0];
	_ =	sdelay $0x4  }
0xdd: {  	[tilespmem:$0x9AD0] =	vst v1  }
0xde: {  	v1 =	vld [tilespmem:s18+$0x8DE0];
	_ =	sdelay $0x4  }
0xdf: {  	[tilespmem:$0x9AE0] =	vst v1  }
0xe0: {  	v1 =	vld [tilespmem:s18+$0x8DF0];
	_ =	sdelay $0x3  }
0xe1: {  	p1 =	seq.s32 s9, $0x3000  }
.Ltmp5:
0xe2: {  	[tilespmem:$0x9AF0] =	vst v1;
	(pc) =	sbr.rel @p1 .LBB2_9-.Ltmp5, $4  }
0xe3: {  	[spmem:s3] =	stream.indirect.scatter.add.f32 [tilespmem:s16], [sflag:$0x6], $0x80, s11, s2, $0xb8;
	[tilespmem:$0x1DB80] =	vst v63  }
0xe4: {  	_ =	swait.ge [sflag:s12], $0x4000  }
0xe5: {  	[sflag:s12] =	ssyncset.done $0x0  }
0xe6: {  	[sflag:s12] =	ssyncadd.s32 $0xFFFFC000  }
0xe7: {  	[tilespmem:s4], [sflag:$0x1] =	stream.linear.gather [hbm4b:s23+s4], $0x4000, $0x38;
	[tilespmem:$0x1DB80] =	vst v63  }
.Ltmp6:
0xe8: {  	_ = 	snop;
	(pc) =	sbr.rel .LBB2_7-.Ltmp6, $4  }
0xe9: {  	_ =	swait.ge [sflag:s13], $0x4000  }
0xea: {  	s18 =	sadd.s32 $0x800, s23;
	[sflag:s13] =	ssyncset.done $0x0  }
0xeb: {  	s9 =	sadd.s32 $0x400, s9;
	s23 =	sadd.s32 $0x1000, s23;
	[sflag:s13] =	ssyncadd.s32 $0xFFFFC000  }
0xec: {  	[tilespmem:s16], [sflag:$0x2] =	stream.linear.gather [hbm4b:s18+s4], $0x4000, $0x38;
	[tilespmem:$0x1DB80] =	vst v63  }
.LBB2_9:
0xed: {  	_ =	swait.ge [sflag:s13], $0x4000  }
0xee: {  	[sflag:s13] =	ssyncset.done $0x0  }
0xef: {  	s9 =	simm.s32 $0x0;
	s18 =	rddreg [dreg:$0xc];
	[sflag:s13] =	ssyncadd.s32 $0xFFFFC000  }
0xf0: {  	[tilespmem:s0], [sflag:$0x7] =	stream.linear.gather [hbm4b:s18+s9], $0xD00, $0x38;
	[tilespmem:$0x1DB80] =	vst v63  }
0xf1: {  	_ =	swait.ge [sflag:s31], $0xD00  }
0xf2: {  	[sflag:s31] =	ssyncset.done $0x0  }
0xf3: {  	s23 =	rddreg [dreg:$0xd];
	[sflag:s31] =	ssyncadd.s32 $0xFFFFF300  }
0xf4: {  	[tilespmem:s15], [sflag:$0x7] =	stream.linear.gather [hbm4b:s23+s9], $0xD00, $0x38;
	[tilespmem:$0x1DB80] =	vst v63  }
0xf5: {  	_ =	swait.ge [sflag:s31], $0xD00  }
0xf6: {  	[sflag:s31] =	ssyncset.done $0x0  }
0xf7: {  	s19 =	rddreg [dreg:$0x11];
	[sflag:s31] =	ssyncadd.s32 $0xFFFFF300  }
0xf8: {  	[tilespmem:s9], [sflag:$0x1] =	stream.linear.gather [hbm4b:s19+s9], $0x4000, $0x38;
	[tilespmem:$0x1DB80] =	vst v63  }
0xf9: {  	s23 =	rddreg [dreg:$0x12]  }
0xfa: {  	[tilespmem:s16], [sflag:$0x2] =	stream.linear.gather [hbm4b:s23+s9], $0x4000, $0x38;
	[tilespmem:$0x1DB80] =	vst v63  }
0xfb: {  	s23 =	smov.u32 s25  }
.LBB2_10:
0xfc: {  	_ =	swait.ge [sflag:s20], $0x4000  }
0xfd: {  	s18 =	sshra.s32 s9, $0x2;
	[sflag:s20] =	ssyncset.done $0x0  }
0xfe: {  	s19 =	sadd.s32 $0x8000, s18;
	[sflag:s20] =	ssyncadd.s32 $0xFFFFC000  }
0xff: {  	[tilespmem:s4], [sflag:$0x3] =	stream.indirect.gather.add.f32 [hbm:s1], $0x80, s19, s2, $0xb8;
	[tilespmem:$0x1DB80] =	vst v63  }
0x100: {  	_ =	swait.ge [sflag:s6], $0x4000  }
0x101: {  	[sflag:s6] =	ssyncset.done $0x0  }
0x102: {  	s19 =	sadd.s32 $0x8080, s18;
	[sflag:s6] =	ssyncadd.s32 $0xFFFFC000  }
0x103: {  	[tilespmem:s16], [sflag:$0x4] =	stream.indirect.gather.add.f32 [hbm:s1], $0x80, s19, s2, $0xb8;
	[tilespmem:$0x1DB80] =	vst v63  }
0x104: {  	_ =	swait.ge [sflag:s7], $0x4000  }
0x105: {  	[sflag:s7] =	ssyncset.done $0x0  }
0x106: {  	[sflag:s7] =	ssyncadd.s32 $0xFFFFC000  }
0x107: {  	v1 =	vld [tilespmem:s18+$0x8D00];
	_ =	sdelay $0x4  }
0x108: {  	[tilespmem:$0x9A00] =	vst v1  }
0x109: {  	v1 =	vld [tilespmem:s18+$0x8D10];
	_ =	sdelay $0x4  }
0x10a: {  	[tilespmem:$0x9A10] =	vst v1  }
0x10b: {  	v1 =	vld [tilespmem:s18+$0x8D20];
	_ =	sdelay $0x4  }
0x10c: {  	[tilespmem:$0x9A20] =	vst v1  }
0x10d: {  	v1 =	vld [tilespmem:s18+$0x8D30];
	_ =	sdelay $0x4  }
0x10e: {  	[tilespmem:$0x9A30] =	vst v1  }
0x10f: {  	v1 =	vld [tilespmem:s18+$0x8D40];
	_ =	sdelay $0x4  }
0x110: {  	[tilespmem:$0x9A40] =	vst v1  }
0x111: {  	v1 =	vld [tilespmem:s18+$0x8D50];
	_ =	sdelay $0x4  }
0x112: {  	[tilespmem:$0x9A50] =	vst v1  }
0x113: {  	v1 =	vld [tilespmem:s18+$0x8D60];
	_ =	sdelay $0x4  }
0x114: {  	[tilespmem:$0x9A60] =	vst v1  }
0x115: {  	v1 =	vld [tilespmem:s18+$0x8D70];
	_ =	sdelay $0x4  }
0x116: {  	[tilespmem:$0x9A70] =	vst v1  }
0x117: {  	[spmem:s3] =	stream.indirect.scatter.add.f32 [tilespmem:s4], [sflag:$0x5], $0x80, s8, s2, $0xb8;
	[tilespmem:$0x1DB80] =	vst v63  }
0x118: {  	_ =	swait.ge [sflag:s10], $0x4000  }
0x119: {  	[sflag:s10] =	ssyncset.done $0x0  }
0x11a: {  	[sflag:s10] =	ssyncadd.s32 $0xFFFFC000  }
0x11b: {  	v1 =	vld [tilespmem:s18+$0x8D80];
	_ =	sdelay $0x4  }
0x11c: {  	[tilespmem:$0x9A80] =	vst v1  }
0x11d: {  	v1 =	vld [tilespmem:s18+$0x8D90];
	_ =	sdelay $0x4  }
0x11e: {  	[tilespmem:$0x9A90] =	vst v1  }
0x11f: {  	v1 =	vld [tilespmem:s18+$0x8DA0];
	_ =	sdelay $0x4  }
0x120: {  	[tilespmem:$0x9AA0] =	vst v1  }
0x121: {  	v1 =	vld [tilespmem:s18+$0x8DB0];
	_ =	sdelay $0x4  }
0x122: {  	[tilespmem:$0x9AB0] =	vst v1  }
0x123: {  	v1 =	vld [tilespmem:s18+$0x8DC0];
	_ =	sdelay $0x4  }
0x124: {  	[tilespmem:$0x9AC0] =	vst v1  }
0x125: {  	v1 =	vld [tilespmem:s18+$0x8DD0];
	_ =	sdelay $0x4  }
0x126: {  	[tilespmem:$0x9AD0] =	vst v1  }
0x127: {  	v1 =	vld [tilespmem:s18+$0x8DE0];
	_ =	sdelay $0x4  }
0x128: {  	[tilespmem:$0x9AE0] =	vst v1  }
0x129: {  	v1 =	vld [tilespmem:s18+$0x8DF0];
	_ =	sdelay $0x3  }
0x12a: {  	p1 =	seq.s32 s9, $0x3000  }
.Ltmp7:
0x12b: {  	[tilespmem:$0x9AF0] =	vst v1;
	(pc) =	sbr.rel @p1 .LBB2_12-.Ltmp7, $4  }
0x12c: {  	[spmem:s3] =	stream.indirect.scatter.add.f32 [tilespmem:s16], [sflag:$0x6], $0x80, s11, s2, $0xb8;
	[tilespmem:$0x1DB80] =	vst v63  }
0x12d: {  	_ =	swait.ge [sflag:s12], $0x4000  }
0x12e: {  	[sflag:s12] =	ssyncset.done $0x0  }
0x12f: {  	[sflag:s12] =	ssyncadd.s32 $0xFFFFC000  }
0x130: {  	[tilespmem:s4], [sflag:$0x1] =	stream.linear.gather [hbm4b:s23+s4], $0x4000, $0x38;
	[tilespmem:$0x1DB80] =	vst v63  }
.Ltmp8:
0x131: {  	_ = 	snop;
	(pc) =	sbr.rel .LBB2_10-.Ltmp8, $4  }
0x132: {  	_ =	swait.ge [sflag:s13], $0x4000  }
0x133: {  	s18 =	sadd.s32 $0x800, s23;
	[sflag:s13] =	ssyncset.done $0x0  }
0x134: {  	s9 =	sadd.s32 $0x400, s9;
	s23 =	sadd.s32 $0x1000, s23;
	[sflag:s13] =	ssyncadd.s32 $0xFFFFC000  }
0x135: {  	[tilespmem:s16], [sflag:$0x2] =	stream.linear.gather [hbm4b:s18+s4], $0x4000, $0x38;
	[tilespmem:$0x1DB80] =	vst v63  }
.LBB2_12:
.Ltmp9:
0x136: {  	(pc) =	sbr.rel @p0 .LBB2_16-.Ltmp9, $4  }
0x137: {  	_ = 	snop  }
0x138: {  	_ =	swait.ge [sflag:s13], $0x4000  }
0x139: {  	[sflag:s13] =	ssyncset.done $0x0  }
0x13a: {  	[sflag:s13] =	ssyncadd.s32 $0xFFFFC000  }
0x13b: {  	s9 =	simm.s32 $0x0;
	s18 =	rddreg [dreg:$0xe];
	s19 =	simm.s32 $0x9B00  }
0x13c: {  	[tilespmem:s19], [sflag:$0x7] =	stream.linear.gather [hbm4b:s18+s9], $0x80, $0x38;
	[tilespmem:$0x1DB80] =	vst v63  }
0x13d: {  	_ =	swait.ge [sflag:s31], $0x80  }
0x13e: {  	[sflag:s31] =	ssyncset.done $0x0  }
0x13f: {  	s23 =	rddreg [dreg:$0xf];
	[sflag:s31] =	ssyncadd.s32 $0xFFFFFF80  }
0x140: {  	[tilespmem:s8], [sflag:$0x7] =	stream.linear.gather [hbm4b:s23+s9], $0x80, $0x38;
	[tilespmem:$0x1DB80] =	vst v63  }
0x141: {  	_ =	swait.ge [sflag:s31], $0x80  }
0x142: {  	[sflag:s31] =	ssyncset.done $0x0  }
0x143: {  	s23 =	rddreg [dreg:$0x13];
	[sflag:s31] =	ssyncadd.s32 $0xFFFFFF80  }
0x144: {  	[tilespmem:s9], [sflag:$0x7] =	stream.linear.gather [hbm4b:s23+s9], $0x4000, $0x38;
	[tilespmem:$0x1DB80] =	vst v63  }
0x145: {  	_ =	swait.ge [sflag:s31], $0x4000  }
0x146: {  	[sflag:s31] =	ssyncset.done $0x0  }
0x147: {  	[sflag:s31] =	ssyncadd.s32 $0xFFFFC000  }
0x148: {  	[tilespmem:s9], [sflag:$0x3] =	stream.indirect.gather.add.f32 [hbm:s1], $0x80, s19, s2, $0xb8;
	[tilespmem:$0x1DB80] =	vst v63  }
0x149: {  	_ =	swait.ge [sflag:s7], $0x4000  }
0x14a: {  	[sflag:s7] =	ssyncset.done $0x0  }
0x14b: {  	s9 =	simm.s32 $0x0;
	[sflag:s7] =	ssyncadd.s32 $0xFFFFC000  }
0x14c: {  	v3 =	vld [tilespmem:s9+$0x0]  }
0x14d: {  	v5 =	vld [tilespmem:s9+$0x10]  }
0x14e: {  	v4 =	vld [tilespmem:s9+$0x20]  }
0x14f: {  	v2 =	vld [tilespmem:s9+$0x30]  }
0x150: {  	v1 =	vld [tilespmem:s9+$0x40]  }
0x151: {  	v6 =	vmax.f32 v3, $0.0e+00;
	v3 =	vld [tilespmem:s9+$0x50]  }
0x152: {  	s23 =	simm.s32 $0x200;
	[tilespmem:s9+$0x0] =	vst v6;
	v6 =	vmax.f32 v5, $0.0e+00;
	v5 =	vld [tilespmem:s9+$0x60]  }
.LBB2_14:
0x153: {  	s18 =	sshra.s32 s23, $0x2;
	p1 =	sne.s32 s23, $0xFE00;
	[tilespmem:s9+$0x10] =	vst v6;
	v4 =	vmax.f32 v4, $0.0e+00;
	v6 =	vld [tilespmem:s9+$0x70]  }
0x154: {  	v2 =	vmax.f32 v2, $0.0e+00;
	v7 =	vld [tilespmem:s18+$0x0];
	[tilespmem:s9+$0x20] =	vst v4  }
0x155: {  	v1 =	vmax.f32 v1, $0.0e+00;
	v8 =	vld [tilespmem:s18+$0x10];
	[tilespmem:s9+$0x30] =	vst v2  }
.Ltmp10:
0x156: {  	v4 =	vld [tilespmem:s18+$0x20];
	[tilespmem:s9+$0x40] =	vst v1;
	v1 =	vmax.f32 v3, $0.0e+00;
	(pc) =	sbr.rel @p1 .LBB2_14-.Ltmp10, $4  }
0x157: {  	v3 =	vmax.f32 v5, $0.0e+00;
	v2 =	vld [tilespmem:s18+$0x30];
	[tilespmem:s9+$0x50] =	vst v1  }
0x158: {  	v1 =	vld [tilespmem:s18+$0x40];
	[tilespmem:s9+$0x60] =	vst v3;
	v5 =	vmax.f32 v6, $0.0e+00  }
0x159: {  	v6 =	vmax.f32 v7, $0.0e+00;
	v3 =	vld [tilespmem:s18+$0x50];
	[tilespmem:s9+$0x70] =	vst v5;
	s9 =	smov.u32 s18  }
0x15a: {  	s23 =	sadd.s32 $0x200, s23;
	[tilespmem:s9+$0x0] =	vst v6;
	v6 =	vmax.f32 v8, $0.0e+00;
	v5 =	vld [tilespmem:s9+$0x60]  }
.Ltmp11:
0x15b: {  	_ = 	snop;
	(pc) =	sbr.rel .LBB2_15-.Ltmp11, $1  }
0x15c: {  	_ =	sdelay $0x3  }
.LBB2_17:
0x15d: {  	_ =	sfence.sel $0x180000  }
0x15e: {  	[bflag:$0x0] =	sbarrier.arrive $0xFFFF  }
0x15f: {  	_ =	strace $0x90000047  }
0x160: {  	s0 =	stileid.u32;
	[bflag:$0x2] =	sbarrier.arrive $0xFFFF  }
0x161: {  	p0 =	sne.s32 s0, $0x0;
	s0 =	rddreg [dreg:$0x5]  }
0x162: {  	s0 =	sadd.s32 @!p0 $0x100000, s0  }
0x163: {  	[sflag:s0] =	ssyncadd.tile.s32 @!p0 $0x1;
	_ =	shalt  }
.Lfunc_end2:
_tile_overlayer_lowered:
.L_overlay_start_2:
0x164: {  	(tag) =	ssettag $0x2  }
0x165: {  	s0 =	rddreg [dreg:$0x0];
	s2 =	stileid.u32  }
0x166: {  	s1 =	rddreg [dreg:$0x1];
	p0 =	sne.s32 s2, $0x0  }
0x167: {  	s3 =	rddreg [dreg:$0x2];
	[bflag:$0x3] =	sbarrier.arrive $0xFFFF;
	s2 =	simm.s32 @!p0 $0x1C07  }
0x168: {  	[timem:s3], [sflag:s2] =	dma.local @!p0 [hbm:s0], s1  }
0x169: {  	s0 =	simm.s32 @!p0 $0x7  }
0x16a: {  	_ =	swait.ge @!p0 [sflag:s0], s1  }
0x16b: {  	s1 =	ssub.s32 @!p0 $0x0, s1;
	[sflag:s0] =	ssyncset.done @!p0 $0x0  }
0x16c: {  	[sflag:s0] =	ssyncadd.s32 @!p0 s1  }
0x16d: {  	[bflag:$0x3] =	sbarrier.arrive $0xFFFF  }
0x16e: {  	_ =	shalt  }

</sc_bundles>
